<compile_context>
chip_gen: v7x
topology: tpu7x:2x2x1
jax: 0.10.2.dev20260603
libtpu: 0.0.44.dev20260713+nightly
codegen_flags: <defaults>
</compile_context>

<pallas_src>
import jax
import jax.numpy as jnp
from jax import lax
from jax.experimental import pallas as pl
from jax.experimental.pallas import tpu as pltpu
from jax.experimental.pallas import tpu_sc as plsc

B = 512
C = 10
CP = 16
R = 5000

NC = 2
NS = 16
NW = NC * NS
SG = 256
SW = 64

bf16 = jnp.bfloat16



def _sc_segsum_body(x_hbm, batch2d_hbm, batch_hbm, zeros_hbm, P2_hbm,
                    idx0_v, idx1_v, x0_v, x1_v, idxg_v, idxr_v, P_sh,
                    sem0, sem1):
    cid = lax.axis_index("c")
    sid = lax.axis_index("s")
    wid = sid * NC + cid
    N = x_hbm.shape[0]
    n_sg = N // SG
    tail = N - n_sg * SG
    bufs = ((idx0_v, x0_v, sem0), (idx1_v, x1_v, sem1))

    @pl.when(sid == 0)
    def _():
        pltpu.sync_copy(zeros_hbm, P_sh)

    plsc.subcore_barrier()

    def load(sg, buf):
        idxb, xb, sem = buf
        pltpu.async_copy(batch2d_hbm.at[pl.ds(sg * 2, 2), :], idxb, sem)
        pltpu.async_copy(x_hbm.at[pl.ds(sg * SG, SG), :], xb, sem)

    def wait_load(buf):
        idxb, xb, sem = buf
        pltpu.make_async_copy(batch2d_hbm.at[pl.ds(0, 2), :], idxb, sem).wait()
        pltpu.make_async_copy(x_hbm.at[pl.ds(0, SG), :], xb, sem).wait()

    def scatter(buf):
        idxb, xb, _ = buf
        for j in range(SG // 128):
            pltpu.sync_copy(xb.at[pl.ds(j * 128, 128), :],
                            P_sh.at[idxb.at[j]], add=True)

    niter = (n_sg - wid + NW - 1) // NW

    @pl.when(niter > 0)
    def _():
        load(wid, bufs[0])

    def body(k, carry):
        for par in range(2):
            @pl.when(k % 2 == par)
            def _():
                @pl.when(k + 1 < niter)
                def _():
                    load(wid + (k + 1) * NW, bufs[1 - par])
                wait_load(bufs[par])
                scatter(bufs[par])
        return carry

    lax.fori_loop(0, niter, body, 0)

    if tail >= 128:
        @pl.when(wid == NW - 2)
        def _():
            r0 = n_sg * SG
            pltpu.sync_copy(batch2d_hbm.at[pl.ds(r0 // 128, 1), :], idxg_v)
            pltpu.sync_copy(x_hbm.at[pl.ds(r0, 128), :],
                            x0_v.at[pl.ds(0, 128), :])
            pltpu.sync_copy(x0_v.at[pl.ds(0, 128), :],
                            P_sh.at[idxg_v.at[0]], add=True)

    rem = tail % 128
    if rem:
        @pl.when(wid == NW - 1)
        def _():
            r0 = N - rem
            pltpu.sync_copy(batch_hbm.at[pl.ds(r0, rem)], idxr_v)
            pltpu.sync_copy(x_hbm.at[pl.ds(r0, rem), :],
                            x1_v.at[pl.ds(0, rem), :])
            pltpu.sync_copy(x1_v.at[pl.ds(0, rem), :],
                            P_sh.at[idxr_v], add=True)

    plsc.subcore_barrier()

    @pl.when(sid == 0)
    def _():
        pltpu.sync_copy(P_sh, P2_hbm.at[cid])



def _mlp_body(batch_ref, x_ref, W1c_ref, W2_ref, h_ref, t1_ref, S12_ref):
    i = pl.program_id(0)
    D = x_ref.shape[1]
    R_ = x_ref.shape[0]
    xb = x_ref[...].astype(bf16)
    dot1 = jnp.dot(xb, W1c_ref[...].astype(bf16),
                   preferred_element_type=jnp.float32)
    hid = jnp.maximum(dot1[:, :D], 0).astype(bf16)
    h = jnp.dot(hid, W2_ref[...].astype(bf16),
                preferred_element_type=jnp.float32)
    t1 = dot1[:, D:]
    h_ref[0] = jnp.transpose(h)[:C, :]
    t1_ref[0] = jnp.transpose(t1)

    b = batch_ref[0]
    s0 = jnp.min(b)
    s0a = pl.multiple_of((s0 // 8) * 8, 8)
    offs = b - s0a
    spanmax = jnp.max(offs)
    cat = jnp.concatenate([h * t1, h], axis=1).astype(bf16)
    iot64 = lax.broadcasted_iota(jnp.int32, (SW, 1), 0)

    @pl.when(i == 0)
    def _():
        S12_ref[...] = jnp.zeros_like(S12_ref)

    for kk in range(B // SW):
        @pl.when(spanmax >= kk * SW)
        def _():
            ohT = (offs - kk * SW == iot64).astype(bf16)
            contrib = jnp.dot(ohT, cat, preferred_element_type=jnp.float32)
            S12_ref[pl.ds(s0a + kk * SW, SW), :] += contrib



def _theta_body(batch_ref, t1_ref, P2_ref, S12_ref, Wt2_ref,
                theta_ref, out_ref, g_s):
    i = pl.program_id(0)

    @pl.when(i == 0)
    def _():
        P = P2_ref[0] + P2_ref[1]
        g = jnp.dot(P, Wt2_ref[...], preferred_element_type=jnp.float32)
        g_s[pl.ds(0, B), :] = g
        g_s[pl.ds(B, SW), :] = jnp.zeros((SW, CP), jnp.float32)
        S1 = S12_ref[:B, :CP]
        S2 = S12_ref[:B, CP:]
        out_ref[...] = jnp.transpose(S1 + g * S2)[:C, :]

    b = batch_ref[0]
    s0 = jnp.min(b)
    s0a = pl.multiple_of((s0 // 8) * 8, 8)
    offs = b - s0a
    spanmax = jnp.max(offs)
    iot64 = lax.broadcasted_iota(jnp.int32, (SW, 1), 0)

    gw0 = jnp.transpose(g_s[pl.ds(s0a, SW), :]).astype(bf16)
    oh0 = (offs == iot64).astype(bf16)
    acc0 = jnp.dot(gw0, oh0, preferred_element_type=jnp.float32)
    theta_ref[0] = t1_ref[0][:C, :] + acc0[:C, :]

    for kk in range(1, B // SW):
        @pl.when(spanmax >= kk * SW)
        def _():
            gw = jnp.transpose(g_s[pl.ds(s0a + kk * SW, SW), :]).astype(bf16)
            oh = (offs - kk * SW == iot64).astype(bf16)
            theta_ref[0] += jnp.dot(gw, oh,
                                    preferred_element_type=jnp.float32)[:C, :]


def kernel(x, batch, annotations, W_h1, b_h1, W_h2, b_h2, W_t, b_t):
    N, D = x.shape
    assert N % R == 0
    NB = N // R
    f32 = jnp.float32

    batch32 = batch.astype(jnp.int32)
    batch3 = batch32.reshape(NB, 1, R)
    npad = (-N) % 128
    batch2d = jnp.pad(batch32, (0, npad)).reshape((N + npad) // 128, 128)
    b1r = b_h1.astype(f32).reshape(1, D)
    W2p = jnp.zeros((D, CP), f32).at[:, :C].set(W_h2)
    b2p = jnp.zeros((1, CP), f32).at[0, :C].set(b_h2)
    Wt1p = jnp.zeros((D, CP), f32).at[:, :C].set(W_t[:D])
    W1c = jnp.concatenate([W_h1, Wt1p], axis=1)
    Wt2p = jnp.zeros((D, CP), f32).at[:, :C].set(W_t[D:])
    btp = jnp.zeros((1, CP), f32).at[0, :C].set(b_t)
    zeros_bd = jnp.zeros((B, D), f32)

    mesh = plsc.VectorSubcoreMesh(core_axis_name="c", subcore_axis_name="s",
                                  num_cores=NC, num_subcores=NS)

    rem = N % 128
    P2 = pl.kernel(
        _sc_segsum_body,
        out_type=jax.ShapeDtypeStruct((NC, B, D), f32),
        mesh=mesh,
        scratch_types=[
            pltpu.VMEM((2, 128), jnp.int32),
            pltpu.VMEM((2, 128), jnp.int32),
            pltpu.VMEM((SG, D), f32),
            pltpu.VMEM((SG, D), f32),
            pltpu.VMEM((1, 128), jnp.int32),
            pltpu.VMEM((max(rem, 8),), jnp.int32),
            pltpu.VMEM_SHARED((B, D), f32),
            pltpu.SemaphoreType.DMA,
            pltpu.SemaphoreType.DMA,
        ],
        compiler_params=pltpu.CompilerParams(needs_layout_passes=False,
                                             use_tc_tiling_on_sc=True),
    )(x, batch2d, batch32, zeros_bd)

    hT, t1T, S12 = pl.pallas_call(
        _mlp_body,
        grid=(NB,),
        in_specs=[
            pl.BlockSpec((1, 1, R), lambda i: (i, 0, 0)),
            pl.BlockSpec((R, D), lambda i: (i, 0)),
            pl.BlockSpec((D, D + CP), lambda i: (0, 0)),
            pl.BlockSpec((D, CP), lambda i: (0, 0)),
        ],
        out_specs=[
            pl.BlockSpec((1, C, R), lambda i: (i, 0, 0)),
            pl.BlockSpec((1, CP, R), lambda i: (i, 0, 0)),
            pl.BlockSpec((B + SW, 2 * CP), lambda i: (0, 0)),
        ],
        out_shape=[
            jax.ShapeDtypeStruct((NB, C, R), f32),
            jax.ShapeDtypeStruct((NB, CP, R), f32),
            jax.ShapeDtypeStruct((B + SW, 2 * CP), f32),
        ],
        compiler_params=pltpu.CompilerParams(
            dimension_semantics=("arbitrary",)),
    )(batch3, x, W1c, W2p)

    thetaT, outT = pl.pallas_call(
        _theta_body,
        grid=(NB,),
        in_specs=[
            pl.BlockSpec((1, 1, R), lambda i: (i, 0, 0)),
            pl.BlockSpec((1, CP, R), lambda i: (i, 0, 0)),
            pl.BlockSpec((NC, B, D), lambda i: (0, 0, 0)),
            pl.BlockSpec((B + SW, 2 * CP), lambda i: (0, 0)),
            pl.BlockSpec((D, CP), lambda i: (0, 0)),
        ],
        out_specs=[
            pl.BlockSpec((1, C, R), lambda i: (i, 0, 0)),
            pl.BlockSpec((C, B), lambda i: (0, 0)),
        ],
        out_shape=[
            jax.ShapeDtypeStruct((NB, C, R), f32),
            jax.ShapeDtypeStruct((C, B), f32),
        ],
        scratch_shapes=[pltpu.VMEM((B + SW, CP), f32)],
        compiler_params=pltpu.CompilerParams(
            dimension_semantics=("arbitrary",)),
    )(batch3, t1T, P2, S12, Wt2p)

    h = jnp.transpose(hT, (1, 0, 2)).reshape(C, N).T
    theta = jnp.transpose(thetaT, (1, 0, 2)).reshape(C, N).T
    return outT.T, theta, h

# --- scband reference (transcript-rebuilt; emitter-appended) ---
"""Pipeline reference for scband-graph-sennpool-28690381537861 (READ-ONLY COPY).

The authoritative reference and input builder live on the scoring server;
editing this copy changes nothing except your own understanding.
"""

import jax, jax.numpy as jnp
import numpy as np

N = 100000
D = 128
B = 512
C = 10

def setup_inputs(seed: int = 0):
    key = jax.random.key(seed)
    ks = jax.random.split(key, 8)
    x = jax.random.normal(ks[0], (N, D), dtype=jnp.float32)
    batch = jnp.sort(jax.random.randint(ks[1], (N,), 0, B, dtype=jnp.int64))
    annotations = jax.random.normal(ks[2], (N, D), dtype=jnp.float32)
    W_h1 = jax.random.normal(ks[3], (D, D), dtype=jnp.float32) / np.sqrt(D)
    b_h1 = jnp.zeros((D,), dtype=jnp.float32)
    W_h2 = jax.random.normal(ks[4], (D, C), dtype=jnp.float32) / np.sqrt(D)
    b_h2 = jnp.zeros((C,), dtype=jnp.float32)
    W_t = jax.random.normal(ks[5], (2 * D, C), dtype=jnp.float32) / np.sqrt(2 * D)
    b_t = jnp.zeros((C,), dtype=jnp.float32)
    return {"x": x, "batch": batch, "annotations": annotations,
            "W_h1": W_h1, "b_h1": b_h1, "W_h2": W_h2, "b_h2": b_h2,
            "W_t": W_t, "b_t": b_t}

def reference(x, batch, annotations, W_h1, b_h1, W_h2, b_h2, W_t, b_t):
    # h network: mlp_from_sizes([D, D, C]) = Linear(D,D) -> ReLU -> Linear(D,C)
    h = jnp.maximum(x @ W_h1 + b_h1, 0.0) @ W_h2 + b_h2
    # global_theta: pool node features per graph (SumAggregation), broadcast back
    pooled = jax.ops.segment_sum(x, batch, num_segments=B)
    pooled_g = pooled[batch, :]
    theta_in = jnp.concatenate([x, pooled_g], axis=-1)
    # theta network: mlp_from_sizes([2D, C]) = single Linear
    theta = theta_in @ W_t + b_t
    # out = SumAggregation(h * theta, index=batch)
    out = jax.ops.segment_sum(h * theta, batch, num_segments=B)
    return (out, theta, h)

if __name__ == "__main__":
    import jax
    _d = setup_inputs()
    print(jax.jit(kernel)(*tuple(_d.values())))

</pallas_src>

<mosaic_0001>
#map = affine_map<(d0, d1) -> (0, 0)>
#map1 = affine_map<(d0, d1) -> (0)>
#map2 = affine_map<(d0, d1) -> (0, 0, 0)>
module attributes {stable_mosaic.version = 14 : i64} {
  func.func @_sc_segsum_body(%arg0: i32, %arg1: i32, %arg2: memref<100000x128xf32, #tpu.memory_space<hbm>>, %arg3: memref<782x128xi32, #tpu.memory_space<hbm>>, %arg4: memref<100000xi32, #tpu.memory_space<hbm>>, %arg5: memref<512x128xf32, #tpu.memory_space<hbm>>, %arg6: memref<2x512x128xf32, #tpu.memory_space<hbm>>, %arg7: memref<2x128xi32, #tpu.memory_space<vmem>>, %arg8: memref<2x128xi32, #tpu.memory_space<vmem>>, %arg9: memref<256x128xf32, #tpu.memory_space<vmem>>, %arg10: memref<256x128xf32, #tpu.memory_space<vmem>>, %arg11: memref<1x128xi32, #tpu.memory_space<vmem>>, %arg12: memref<32xi32, #tpu.memory_space<vmem>>, %arg13: memref<512x128xf32, #tpu.memory_space<vmem_shared>>, %arg14: memref<!tpu.dma_semaphore, #tpu.memory_space<semaphore_mem>>, %arg15: memref<!tpu.dma_semaphore, #tpu.memory_space<semaphore_mem>>) attributes {dimension_semantics = [#tpu.dimension_semantics<core_parallel>, #tpu.dimension_semantics<subcore_parallel>], iteration_bounds = array<i64: 2, 16>, scalar_prefetch = 0 : i64, scratch_operands = 9 : i64, tpu.core_type = #tpu.core_type<sc_vector_subcore>, window_params = [{transform_indices = #map}, {transform_indices = #map}, {transform_indices = #map1}, {transform_indices = #map}, {transform_indices = #map2}]} {
    %mul3A = arith.constant 2 : i32
    %mul3A_0 = arith.muli %arg1, %mul3A : i32
    %add3A = arith.addi %mul3A_0, %arg0 : i32
    %eq3A = arith.constant 0 : i32
    %eq3A_1 = arith.cmpi eq, %arg1, %eq3A : i32
    %convert_element_type3A = arith.extui %eq3A_1 : i1 to i32
    %cond3A = arith.constant 0 : i32
    %cond3A_2 = arith.cmpi ne, %convert_element_type3A, %cond3A : i32
    scf.if %cond3A_2 {
      "tpu.region"() ({
        %run_scoped3A = tpu.sem_alloc : memref<!tpu.dma_semaphore, #tpu.memory_space<semaphore_mem>>
        tpu.enqueue_dma source(%arg5 : memref<512x128xf32, #tpu.memory_space<hbm>>) target(%arg13 : memref<512x128xf32, #tpu.memory_space<vmem_shared>>) target_semaphore(%run_scoped3A : memref<!tpu.dma_semaphore, #tpu.memory_space<semaphore_mem>>)
        tpu.wait_dma2 semaphore(%run_scoped3A : memref<!tpu.dma_semaphore, #tpu.memory_space<semaphore_mem>>) src(%arg5 : memref<512x128xf32, #tpu.memory_space<hbm>>) dst(%arg13 : memref<512x128xf32, #tpu.memory_space<vmem_shared>>)
        tpu.yield
      }) : () -> ()
    } else {
    }
    %barrier3A = arith.constant 0 : index
    tpu.barrier barrier_id(%barrier3A)
    %sub3A = arith.constant 390 : i32
    %sub3A_3 = arith.subi %sub3A, %add3A : i32
    %add3A_4 = arith.constant 32 : i32
    %add3A_5 = arith.addi %sub3A_3, %add3A_4 : i32
    %sub3A_6 = arith.constant 1 : i32
    %sub3A_7 = arith.subi %add3A_5, %sub3A_6 : i32
    %jit3A = arith.constant 32 : i32
    %div3A = arith.divsi %sub3A_7, %jit3A : i32
    %sign3A = arith.constant 0 : i32
    %sign3A_8 = arith.cmpi sgt, %sub3A_7, %sign3A : i32
    %sign3A_9 = arith.extui %sign3A_8 : i1 to i32
    %sign3A_10 = arith.constant 0 : i32
    %sign3A_11 = arith.cmpi slt, %sub3A_7, %sign3A_10 : i32
    %sign3A_12 = arith.extui %sign3A_11 : i1 to i32
    %sign3A_13 = arith.subi %sign3A_9, %sign3A_12 : i32
    %sign3A_14 = arith.constant 0 : i32
    %sign3A_15 = arith.cmpi sgt, %jit3A, %sign3A_14 : i32
    %sign3A_16 = arith.extui %sign3A_15 : i1 to i32
    %sign3A_17 = arith.constant 0 : i32
    %sign3A_18 = arith.cmpi slt, %jit3A, %sign3A_17 : i32
    %sign3A_19 = arith.extui %sign3A_18 : i1 to i32
    %sign3A_20 = arith.subi %sign3A_16, %sign3A_19 : i32
    %ne3A = arith.cmpi ne, %sign3A_13, %sign3A_20 : i32
    %rem3A = arith.remsi %sub3A_7, %jit3A : i32
    %ne3A_21 = arith.constant 0 : i32
    %ne3A_22 = arith.cmpi ne, %rem3A, %ne3A_21 : i32
    %and3A = arith.andi %ne3A, %ne3A_22 : i1
    %sub3A_23 = arith.constant 1 : i32
    %sub3A_24 = arith.subi %div3A, %sub3A_23 : i32
    %select_n3A = arith.select %and3A, %sub3A_24, %div3A : i32
    %gt3A = arith.constant 0 : i32
    %gt3A_25 = arith.cmpi sgt, %select_n3A, %gt3A : i32
    %convert_element_type3A_26 = arith.extui %gt3A_25 : i1 to i32
    %cond3A_27 = arith.constant 0 : i32
    %cond3A_28 = arith.cmpi ne, %convert_element_type3A_26, %cond3A_27 : i32
    scf.if %cond3A_28 {
      %mul3A_54 = arith.constant 2 : i32
      %mul3A_55 = arith.muli %add3A, %mul3A_54 : i32
      %dma_start3A = arith.constant 0 : i32
      %dma_start3A_56 = tpu.memref_slice %arg3[%mul3A_55, %dma_start3A] : memref<782x128xi32, #tpu.memory_space<hbm>> -> memref<2x128xi32, #tpu.memory_space<hbm>>
      %dma_start3A_57 = arith.constant 0 : i32
      %dma_start3A_58 = tpu.memref_slice %arg3[%mul3A_55, %dma_start3A_57] : memref<782x128xi32, #tpu.memory_space<hbm>> -> memref<2x128xi32, #tpu.memory_space<hbm>>
      tpu.enqueue_dma source(%dma_start3A_58 : memref<2x128xi32, #tpu.memory_space<hbm>>) target(%arg7 : memref<2x128xi32, #tpu.memory_space<vmem>>) target_semaphore(%arg14 : memref<!tpu.dma_semaphore, #tpu.memory_space<semaphore_mem>>)
      %mul3A_59 = arith.constant 256 : i32
      %mul3A_60 = arith.muli %add3A, %mul3A_59 : i32
      %dma_start3A_61 = arith.constant 0 : i32
      %dma_start3A_62 = tpu.memref_slice %arg2[%mul3A_60, %dma_start3A_61] : memref<100000x128xf32, #tpu.memory_space<hbm>> -> memref<256x128xf32, #tpu.memory_space<hbm>>
      %dma_start3A_63 = arith.constant 0 : i32
      %dma_start3A_64 = tpu.memref_slice %arg2[%mul3A_60, %dma_start3A_63] : memref<100000x128xf32, #tpu.memory_space<hbm>> -> memref<256x128xf32, #tpu.memory_space<hbm>>
      tpu.enqueue_dma source(%dma_start3A_64 : memref<256x128xf32, #tpu.memory_space<hbm>>) target(%arg9 : memref<256x128xf32, #tpu.memory_space<vmem>>) target_semaphore(%arg14 : memref<!tpu.dma_semaphore, #tpu.memory_space<semaphore_mem>>)
    } else {
    }
    %while3A = arith.constant 0 : i32
    %while3A_29 = arith.constant 0 : i32
    %while3A_30 = arith.subi %select_n3A, %while3A_29 : i32
    %while3A_31 = arith.addi %while3A_29, %while3A_30 : i32
    %while3A_32 = arith.constant 1 : i32
    %while3A_33 = arith.divsi %while3A_30, %while3A_32 : i32
    %while3A_34 = arith.muli %while3A_33, %while3A_32 : i32
    %while3A_35 = arith.addi %while3A_29, %while3A_34 : i32
    %while3A_36 = arith.constant 1 : i32
    scf.for %while3A_54 = %while3A_29 to %while3A_35 step %while3A_36  : i32 {
      %jit3A_55 = arith.constant 2 : i32
      %eq3A_56 = arith.constant 0 : i32
      %eq3A_57 = arith.cmpi eq, %jit3A_55, %eq3A_56 : i32
      %jit3A_58 = arith.constant 1 : i32
      %select_n3A_59 = arith.select %eq3A_57, %jit3A_58, %jit3A_55 : i32
      %rem3A_60 = arith.remsi %while3A_54, %select_n3A_59 : i32
      %ne3A_61 = arith.constant 0 : i32
      %ne3A_62 = arith.cmpi ne, %rem3A_60, %ne3A_61 : i32
      %lt3A = arith.constant 0 : i32
      %lt3A_63 = arith.cmpi slt, %rem3A_60, %lt3A : i32
      %lt3A_64 = arith.constant 0 : i32
      %lt3A_65 = arith.cmpi slt, %select_n3A_59, %lt3A_64 : i32
      %ne3A_66 = arith.xori %lt3A_63, %lt3A_65 : i1
      %and3A_67 = arith.andi %ne3A_66, %ne3A_62 : i1
      %add3A_68 = arith.addi %rem3A_60, %select_n3A_59 : i32
      %select_n3A_69 = arith.select %and3A_67, %add3A_68, %rem3A_60 : i32
      %eq3A_70 = arith.constant 0 : i32
      %eq3A_71 = arith.cmpi eq, %select_n3A_69, %eq3A_70 : i32
      %convert_element_type3A_72 = arith.extui %eq3A_71 : i1 to i32
      %cond3A_73 = arith.constant 0 : i32
      %cond3A_74 = arith.cmpi ne, %convert_element_type3A_72, %cond3A_73 : i32
      scf.if %cond3A_74 {
        %add3A_96 = arith.constant 1 : i32
        %add3A_97 = arith.addi %while3A_54, %add3A_96 : i32
        %lt3A_98 = arith.cmpi slt, %add3A_97, %select_n3A : i32
        %convert_element_type3A_99 = arith.extui %lt3A_98 : i1 to i32
        %cond3A_100 = arith.constant 0 : i32
        %cond3A_101 = arith.cmpi ne, %convert_element_type3A_99, %cond3A_100 : i32
        scf.if %cond3A_101 {
          %add3A_114 = arith.constant 1 : i32
          %add3A_115 = arith.addi %while3A_54, %add3A_114 : i32
          %mul3A_116 = arith.constant 32 : i32
          %mul3A_117 = arith.muli %add3A_115, %mul3A_116 : i32
          %add3A_118 = arith.addi %add3A, %mul3A_117 : i32
          %mul3A_119 = arith.constant 2 : i32
          %mul3A_120 = arith.muli %add3A_118, %mul3A_119 : i32
          %dma_start3A = arith.constant 0 : i32
          %dma_start3A_121 = tpu.memref_slice %arg3[%mul3A_120, %dma_start3A] : memref<782x128xi32, #tpu.memory_space<hbm>> -> memref<2x128xi32, #tpu.memory_space<hbm>>
          %dma_start3A_122 = arith.constant 0 : i32
          %dma_start3A_123 = tpu.memref_slice %arg3[%mul3A_120, %dma_start3A_122] : memref<782x128xi32, #tpu.memory_space<hbm>> -> memref<2x128xi32, #tpu.memory_space<hbm>>
          tpu.enqueue_dma source(%dma_start3A_123 : memref<2x128xi32, #tpu.memory_space<hbm>>) target(%arg8 : memref<2x128xi32, #tpu.memory_space<vmem>>) target_semaphore(%arg15 : memref<!tpu.dma_semaphore, #tpu.memory_space<semaphore_mem>>)
          %mul3A_124 = arith.constant 256 : i32
          %mul3A_125 = arith.muli %add3A_118, %mul3A_124 : i32
          %dma_start3A_126 = arith.constant 0 : i32
          %dma_start3A_127 = tpu.memref_slice %arg2[%mul3A_125, %dma_start3A_126] : memref<100000x128xf32, #tpu.memory_space<hbm>> -> memref<256x128xf32, #tpu.memory_space<hbm>>
          %dma_start3A_128 = arith.constant 0 : i32
          %dma_start3A_129 = tpu.memref_slice %arg2[%mul3A_125, %dma_start3A_128] : memref<100000x128xf32, #tpu.memory_space<hbm>> -> memref<256x128xf32, #tpu.memory_space<hbm>>
          tpu.enqueue_dma source(%dma_start3A_129 : memref<256x128xf32, #tpu.memory_space<hbm>>) target(%arg10 : memref<256x128xf32, #tpu.memory_space<vmem>>) target_semaphore(%arg15 : memref<!tpu.dma_semaphore, #tpu.memory_space<semaphore_mem>>)
        } else {
        }
        %dma_wait3A = arith.constant 0 : i32
        %dma_wait3A_102 = arith.constant 0 : i32
        %dma_wait3A_103 = tpu.memref_slice %arg3[%dma_wait3A, %dma_wait3A_102] : memref<782x128xi32, #tpu.memory_space<hbm>> -> memref<2x128xi32, #tpu.memory_space<hbm>>
        %dma_wait3A_104 = arith.constant 0 : i32
        %dma_wait3A_105 = arith.constant 0 : i32
        %dma_wait3A_106 = tpu.memref_slice %arg3[%dma_wait3A_104, %dma_wait3A_105] : memref<782x128xi32, #tpu.memory_space<hbm>> -> memref<2x128xi32, #tpu.memory_space<hbm>>
        tpu.wait_dma2 semaphore(%arg14 : memref<!tpu.dma_semaphore, #tpu.memory_space<semaphore_mem>>) src(%dma_wait3A_106 : memref<2x128xi32, #tpu.memory_space<hbm>>) dst(%arg7 : memref<2x128xi32, #tpu.memory_space<vmem>>)
        %dma_wait3A_107 = arith.constant 0 : i32
        %dma_wait3A_108 = arith.constant 0 : i32
        %dma_wait3A_109 = tpu.memref_slice %arg2[%dma_wait3A_107, %dma_wait3A_108] : memref<100000x128xf32, #tpu.memory_space<hbm>> -> memref<256x128xf32, #tpu.memory_space<hbm>>
        %dma_wait3A_110 = arith.constant 0 : i32
        %dma_wait3A_111 = arith.constant 0 : i32
        %dma_wait3A_112 = tpu.memref_slice %arg2[%dma_wait3A_110, %dma_wait3A_111] : memref<100000x128xf32, #tpu.memory_space<hbm>> -> memref<256x128xf32, #tpu.memory_space<hbm>>
        tpu.wait_dma2 semaphore(%arg14 : memref<!tpu.dma_semaphore, #tpu.memory_space<semaphore_mem>>) src(%dma_wait3A_112 : memref<256x128xf32, #tpu.memory_space<hbm>>) dst(%arg9 : memref<256x128xf32, #tpu.memory_space<vmem>>)
        %run_scoped3A = arith.constant 0 : i32
        "tpu.region"() ({
          %run_scoped3A_114 = tpu.sem_alloc : memref<!tpu.dma_semaphore, #tpu.memory_space<semaphore_mem>>
          %dma_start3A = arith.constant 0 : i32
          %dma_start3A_115 = arith.constant 0 : i32
          %dma_start3A_116 = tpu.memref_slice %arg9[%dma_start3A, %dma_start3A_115] : memref<256x128xf32, #tpu.memory_space<vmem>> -> memref<128x128xf32, #tpu.memory_space<vmem>>
          %dma_start3A_117 = arith.constant 0 : i32
          %dma_start3A_118 = tpu.memref_slice %arg7[%run_scoped3A, %dma_start3A_117] : memref<2x128xi32, #tpu.memory_space<vmem>> -> memref<1x128xi32, #tpu.memory_space<vmem>>
          %dma_start3A_119 = tpu.memref_squeeze %dma_start3A_118 : memref<1x128xi32, #tpu.memory_space<vmem>> -> memref<128xi32, #tpu.memory_space<vmem>>
          %dma_start3A_120 = arith.constant 0 : i32
          %dma_start3A_121 = arith.constant 0 : i32
          %dma_start3A_122 = tpu.memref_slice %arg13[%dma_start3A_120, %dma_start3A_121] : memref<512x128xf32, #tpu.memory_space<vmem_shared>> -> memref<512x128xf32, #tpu.memory_space<vmem_shared>>
          tpu.enqueue_indirect_dma source(%dma_start3A_116 : memref<128x128xf32, #tpu.memory_space<vmem>>) target(%dma_start3A_122 : memref<512x128xf32, #tpu.memory_space<vmem_shared>>) offsets(%dma_start3A_119 : memref<128xi32, #tpu.memory_space<vmem>>) semaphore(%run_scoped3A_114 : memref<!tpu.dma_semaphore, #tpu.memory_space<semaphore_mem>>) {add = true}
          %dma_wait3A_123 = arith.constant 0 : i32
          %dma_wait3A_124 = arith.constant 0 : i32
          %dma_wait3A_125 = tpu.memref_slice %arg9[%dma_wait3A_123, %dma_wait3A_124] : memref<256x128xf32, #tpu.memory_space<vmem>> -> memref<128x128xf32, #tpu.memory_space<vmem>>
          %dma_wait3A_126 = arith.constant 0 : i32
          %dma_wait3A_127 = tpu.memref_slice %arg7[%run_scoped3A, %dma_wait3A_126] : memref<2x128xi32, #tpu.memory_space<vmem>> -> memref<1x128xi32, #tpu.memory_space<vmem>>
          %dma_wait3A_128 = tpu.memref_squeeze %dma_wait3A_127 : memref<1x128xi32, #tpu.memory_space<vmem>> -> memref<128xi32, #tpu.memory_space<vmem>>
          %dma_wait3A_129 = arith.constant 0 : i32
          %dma_wait3A_130 = arith.constant 0 : i32
          %dma_wait3A_131 = tpu.memref_slice %arg13[%dma_wait3A_129, %dma_wait3A_130] : memref<512x128xf32, #tpu.memory_space<vmem_shared>> -> memref<512x128xf32, #tpu.memory_space<vmem_shared>>
          tpu.wait_indirect_dma semaphore(%run_scoped3A_114 : memref<!tpu.dma_semaphore, #tpu.memory_space<semaphore_mem>>) src(%dma_wait3A_125 : memref<128x128xf32, #tpu.memory_space<vmem>>) dst(%dma_wait3A_131 : memref<512x128xf32, #tpu.memory_space<vmem_shared>>)
          tpu.yield
        }) : () -> ()
        %run_scoped3A_113 = arith.constant 1 : i32
        "tpu.region"() ({
          %run_scoped3A_114 = tpu.sem_alloc : memref<!tpu.dma_semaphore, #tpu.memory_space<semaphore_mem>>
          %dma_start3A = arith.constant 128 : i32
          %dma_start3A_115 = arith.constant 0 : i32
          %dma_start3A_116 = tpu.memref_slice %arg9[%dma_start3A, %dma_start3A_115] : memref<256x128xf32, #tpu.memory_space<vmem>> -> memref<128x128xf32, #tpu.memory_space<vmem>>
          %dma_start3A_117 = arith.constant 0 : i32
          %dma_start3A_118 = tpu.memref_slice %arg7[%run_scoped3A_113, %dma_start3A_117] : memref<2x128xi32, #tpu.memory_space<vmem>> -> memref<1x128xi32, #tpu.memory_space<vmem>>
          %dma_start3A_119 = tpu.memref_squeeze %dma_start3A_118 : memref<1x128xi32, #tpu.memory_space<vmem>> -> memref<128xi32, #tpu.memory_space<vmem>>
          %dma_start3A_120 = arith.constant 0 : i32
          %dma_start3A_121 = arith.constant 0 : i32
          %dma_start3A_122 = tpu.memref_slice %arg13[%dma_start3A_120, %dma_start3A_121] : memref<512x128xf32, #tpu.memory_space<vmem_shared>> -> memref<512x128xf32, #tpu.memory_space<vmem_shared>>
          tpu.enqueue_indirect_dma source(%dma_start3A_116 : memref<128x128xf32, #tpu.memory_space<vmem>>) target(%dma_start3A_122 : memref<512x128xf32, #tpu.memory_space<vmem_shared>>) offsets(%dma_start3A_119 : memref<128xi32, #tpu.memory_space<vmem>>) semaphore(%run_scoped3A_114 : memref<!tpu.dma_semaphore, #tpu.memory_space<semaphore_mem>>) {add = true}
          %dma_wait3A_123 = arith.constant 128 : i32
          %dma_wait3A_124 = arith.constant 0 : i32
          %dma_wait3A_125 = tpu.memref_slice %arg9[%dma_wait3A_123, %dma_wait3A_124] : memref<256x128xf32, #tpu.memory_space<vmem>> -> memref<128x128xf32, #tpu.memory_space<vmem>>
          %dma_wait3A_126 = arith.constant 0 : i32
          %dma_wait3A_127 = tpu.memref_slice %arg7[%run_scoped3A_113, %dma_wait3A_126] : memref<2x128xi32, #tpu.memory_space<vmem>> -> memref<1x128xi32, #tpu.memory_space<vmem>>
          %dma_wait3A_128 = tpu.memref_squeeze %dma_wait3A_127 : memref<1x128xi32, #tpu.memory_space<vmem>> -> memref<128xi32, #tpu.memory_space<vmem>>
          %dma_wait3A_129 = arith.constant 0 : i32
          %dma_wait3A_130 = arith.constant 0 : i32
          %dma_wait3A_131 = tpu.memref_slice %arg13[%dma_wait3A_129, %dma_wait3A_130] : memref<512x128xf32, #tpu.memory_space<vmem_shared>> -> memref<512x128xf32, #tpu.memory_space<vmem_shared>>
          tpu.wait_indirect_dma semaphore(%run_scoped3A_114 : memref<!tpu.dma_semaphore, #tpu.memory_space<semaphore_mem>>) src(%dma_wait3A_125 : memref<128x128xf32, #tpu.memory_space<vmem>>) dst(%dma_wait3A_131 : memref<512x128xf32, #tpu.memory_space<vmem_shared>>)
          tpu.yield
        }) : () -> ()
      } else {
      }
      %jit3A_75 = arith.constant 2 : i32
      %eq3A_76 = arith.constant 0 : i32
      %eq3A_77 = arith.cmpi eq, %jit3A_75, %eq3A_76 : i32
      %jit3A_78 = arith.constant 1 : i32
      %select_n3A_79 = arith.select %eq3A_77, %jit3A_78, %jit3A_75 : i32
      %rem3A_80 = arith.remsi %while3A_54, %select_n3A_79 : i32
      %ne3A_81 = arith.constant 0 : i32
      %ne3A_82 = arith.cmpi ne, %rem3A_80, %ne3A_81 : i32
      %lt3A_83 = arith.constant 0 : i32
      %lt3A_84 = arith.cmpi slt, %rem3A_80, %lt3A_83 : i32
      %lt3A_85 = arith.constant 0 : i32
      %lt3A_86 = arith.cmpi slt, %select_n3A_79, %lt3A_85 : i32
      %ne3A_87 = arith.xori %lt3A_84, %lt3A_86 : i1
      %and3A_88 = arith.andi %ne3A_87, %ne3A_82 : i1
      %add3A_89 = arith.addi %rem3A_80, %select_n3A_79 : i32
      %select_n3A_90 = arith.select %and3A_88, %add3A_89, %rem3A_80 : i32
      %eq3A_91 = arith.constant 1 : i32
      %eq3A_92 = arith.cmpi eq, %select_n3A_90, %eq3A_91 : i32
      %convert_element_type3A_93 = arith.extui %eq3A_92 : i1 to i32
      %cond3A_94 = arith.constant 0 : i32
      %cond3A_95 = arith.cmpi ne, %convert_element_type3A_93, %cond3A_94 : i32
      scf.if %cond3A_95 {
        %add3A_96 = arith.constant 1 : i32
        %add3A_97 = arith.addi %while3A_54, %add3A_96 : i32
        %lt3A_98 = arith.cmpi slt, %add3A_97, %select_n3A : i32
        %convert_element_type3A_99 = arith.extui %lt3A_98 : i1 to i32
        %cond3A_100 = arith.constant 0 : i32
        %cond3A_101 = arith.cmpi ne, %convert_element_type3A_99, %cond3A_100 : i32
        scf.if %cond3A_101 {
          %add3A_114 = arith.constant 1 : i32
          %add3A_115 = arith.addi %while3A_54, %add3A_114 : i32
          %mul3A_116 = arith.constant 32 : i32
          %mul3A_117 = arith.muli %add3A_115, %mul3A_116 : i32
          %add3A_118 = arith.addi %add3A, %mul3A_117 : i32
          %mul3A_119 = arith.constant 2 : i32
          %mul3A_120 = arith.muli %add3A_118, %mul3A_119 : i32
          %dma_start3A = arith.constant 0 : i32
          %dma_start3A_121 = tpu.memref_slice %arg3[%mul3A_120, %dma_start3A] : memref<782x128xi32, #tpu.memory_space<hbm>> -> memref<2x128xi32, #tpu.memory_space<hbm>>
          %dma_start3A_122 = arith.constant 0 : i32
          %dma_start3A_123 = tpu.memref_slice %arg3[%mul3A_120, %dma_start3A_122] : memref<782x128xi32, #tpu.memory_space<hbm>> -> memref<2x128xi32, #tpu.memory_space<hbm>>
          tpu.enqueue_dma source(%dma_start3A_123 : memref<2x128xi32, #tpu.memory_space<hbm>>) target(%arg7 : memref<2x128xi32, #tpu.memory_space<vmem>>) target_semaphore(%arg14 : memref<!tpu.dma_semaphore, #tpu.memory_space<semaphore_mem>>)
          %mul3A_124 = arith.constant 256 : i32
          %mul3A_125 = arith.muli %add3A_118, %mul3A_124 : i32
          %dma_start3A_126 = arith.constant 0 : i32
          %dma_start3A_127 = tpu.memref_slice %arg2[%mul3A_125, %dma_start3A_126] : memref<100000x128xf32, #tpu.memory_space<hbm>> -> memref<256x128xf32, #tpu.memory_space<hbm>>
          %dma_start3A_128 = arith.constant 0 : i32
          %dma_start3A_129 = tpu.memref_slice %arg2[%mul3A_125, %dma_start3A_128] : memref<100000x128xf32, #tpu.memory_space<hbm>> -> memref<256x128xf32, #tpu.memory_space<hbm>>
          tpu.enqueue_dma source(%dma_start3A_129 : memref<256x128xf32, #tpu.memory_space<hbm>>) target(%arg9 : memref<256x128xf32, #tpu.memory_space<vmem>>) target_semaphore(%arg14 : memref<!tpu.dma_semaphore, #tpu.memory_space<semaphore_mem>>)
        } else {
        }
        %dma_wait3A = arith.constant 0 : i32
        %dma_wait3A_102 = arith.constant 0 : i32
        %dma_wait3A_103 = tpu.memref_slice %arg3[%dma_wait3A, %dma_wait3A_102] : memref<782x128xi32, #tpu.memory_space<hbm>> -> memref<2x128xi32, #tpu.memory_space<hbm>>
        %dma_wait3A_104 = arith.constant 0 : i32
        %dma_wait3A_105 = arith.constant 0 : i32
        %dma_wait3A_106 = tpu.memref_slice %arg3[%dma_wait3A_104, %dma_wait3A_105] : memref<782x128xi32, #tpu.memory_space<hbm>> -> memref<2x128xi32, #tpu.memory_space<hbm>>
        tpu.wait_dma2 semaphore(%arg15 : memref<!tpu.dma_semaphore, #tpu.memory_space<semaphore_mem>>) src(%dma_wait3A_106 : memref<2x128xi32, #tpu.memory_space<hbm>>) dst(%arg8 : memref<2x128xi32, #tpu.memory_space<vmem>>)
        %dma_wait3A_107 = arith.constant 0 : i32
        %dma_wait3A_108 = arith.constant 0 : i32
        %dma_wait3A_109 = tpu.memref_slice %arg2[%dma_wait3A_107, %dma_wait3A_108] : memref<100000x128xf32, #tpu.memory_space<hbm>> -> memref<256x128xf32, #tpu.memory_space<hbm>>
        %dma_wait3A_110 = arith.constant 0 : i32
        %dma_wait3A_111 = arith.constant 0 : i32
        %dma_wait3A_112 = tpu.memref_slice %arg2[%dma_wait3A_110, %dma_wait3A_111] : memref<100000x128xf32, #tpu.memory_space<hbm>> -> memref<256x128xf32, #tpu.memory_space<hbm>>
        tpu.wait_dma2 semaphore(%arg15 : memref<!tpu.dma_semaphore, #tpu.memory_space<semaphore_mem>>) src(%dma_wait3A_112 : memref<256x128xf32, #tpu.memory_space<hbm>>) dst(%arg10 : memref<256x128xf32, #tpu.memory_space<vmem>>)
        %run_scoped3A = arith.constant 0 : i32
        "tpu.region"() ({
          %run_scoped3A_114 = tpu.sem_alloc : memref<!tpu.dma_semaphore, #tpu.memory_space<semaphore_mem>>
          %dma_start3A = arith.constant 0 : i32
          %dma_start3A_115 = arith.constant 0 : i32
          %dma_start3A_116 = tpu.memref_slice %arg10[%dma_start3A, %dma_start3A_115] : memref<256x128xf32, #tpu.memory_space<vmem>> -> memref<128x128xf32, #tpu.memory_space<vmem>>
          %dma_start3A_117 = arith.constant 0 : i32
          %dma_start3A_118 = tpu.memref_slice %arg8[%run_scoped3A, %dma_start3A_117] : memref<2x128xi32, #tpu.memory_space<vmem>> -> memref<1x128xi32, #tpu.memory_space<vmem>>
          %dma_start3A_119 = tpu.memref_squeeze %dma_start3A_118 : memref<1x128xi32, #tpu.memory_space<vmem>> -> memref<128xi32, #tpu.memory_space<vmem>>
          %dma_start3A_120 = arith.constant 0 : i32
          %dma_start3A_121 = arith.constant 0 : i32
          %dma_start3A_122 = tpu.memref_slice %arg13[%dma_start3A_120, %dma_start3A_121] : memref<512x128xf32, #tpu.memory_space<vmem_shared>> -> memref<512x128xf32, #tpu.memory_space<vmem_shared>>
          tpu.enqueue_indirect_dma source(%dma_start3A_116 : memref<128x128xf32, #tpu.memory_space<vmem>>) target(%dma_start3A_122 : memref<512x128xf32, #tpu.memory_space<vmem_shared>>) offsets(%dma_start3A_119 : memref<128xi32, #tpu.memory_space<vmem>>) semaphore(%run_scoped3A_114 : memref<!tpu.dma_semaphore, #tpu.memory_space<semaphore_mem>>) {add = true}
          %dma_wait3A_123 = arith.constant 0 : i32
          %dma_wait3A_124 = arith.constant 0 : i32
          %dma_wait3A_125 = tpu.memref_slice %arg10[%dma_wait3A_123, %dma_wait3A_124] : memref<256x128xf32, #tpu.memory_space<vmem>> -> memref<128x128xf32, #tpu.memory_space<vmem>>
          %dma_wait3A_126 = arith.constant 0 : i32
          %dma_wait3A_127 = tpu.memref_slice %arg8[%run_scoped3A, %dma_wait3A_126] : memref<2x128xi32, #tpu.memory_space<vmem>> -> memref<1x128xi32, #tpu.memory_space<vmem>>
          %dma_wait3A_128 = tpu.memref_squeeze %dma_wait3A_127 : memref<1x128xi32, #tpu.memory_space<vmem>> -> memref<128xi32, #tpu.memory_space<vmem>>
          %dma_wait3A_129 = arith.constant 0 : i32
          %dma_wait3A_130 = arith.constant 0 : i32
          %dma_wait3A_131 = tpu.memref_slice %arg13[%dma_wait3A_129, %dma_wait3A_130] : memref<512x128xf32, #tpu.memory_space<vmem_shared>> -> memref<512x128xf32, #tpu.memory_space<vmem_shared>>
          tpu.wait_indirect_dma semaphore(%run_scoped3A_114 : memref<!tpu.dma_semaphore, #tpu.memory_space<semaphore_mem>>) src(%dma_wait3A_125 : memref<128x128xf32, #tpu.memory_space<vmem>>) dst(%dma_wait3A_131 : memref<512x128xf32, #tpu.memory_space<vmem_shared>>)
          tpu.yield
        }) : () -> ()
        %run_scoped3A_113 = arith.constant 1 : i32
        "tpu.region"() ({
          %run_scoped3A_114 = tpu.sem_alloc : memref<!tpu.dma_semaphore, #tpu.memory_space<semaphore_mem>>
          %dma_start3A = arith.constant 128 : i32
          %dma_start3A_115 = arith.constant 0 : i32
          %dma_start3A_116 = tpu.memref_slice %arg10[%dma_start3A, %dma_start3A_115] : memref<256x128xf32, #tpu.memory_space<vmem>> -> memref<128x128xf32, #tpu.memory_space<vmem>>
          %dma_start3A_117 = arith.constant 0 : i32
          %dma_start3A_118 = tpu.memref_slice %arg8[%run_scoped3A_113, %dma_start3A_117] : memref<2x128xi32, #tpu.memory_space<vmem>> -> memref<1x128xi32, #tpu.memory_space<vmem>>
          %dma_start3A_119 = tpu.memref_squeeze %dma_start3A_118 : memref<1x128xi32, #tpu.memory_space<vmem>> -> memref<128xi32, #tpu.memory_space<vmem>>
          %dma_start3A_120 = arith.constant 0 : i32
          %dma_start3A_121 = arith.constant 0 : i32
          %dma_start3A_122 = tpu.memref_slice %arg13[%dma_start3A_120, %dma_start3A_121] : memref<512x128xf32, #tpu.memory_space<vmem_shared>> -> memref<512x128xf32, #tpu.memory_space<vmem_shared>>
          tpu.enqueue_indirect_dma source(%dma_start3A_116 : memref<128x128xf32, #tpu.memory_space<vmem>>) target(%dma_start3A_122 : memref<512x128xf32, #tpu.memory_space<vmem_shared>>) offsets(%dma_start3A_119 : memref<128xi32, #tpu.memory_space<vmem>>) semaphore(%run_scoped3A_114 : memref<!tpu.dma_semaphore, #tpu.memory_space<semaphore_mem>>) {add = true}
          %dma_wait3A_123 = arith.constant 128 : i32
          %dma_wait3A_124 = arith.constant 0 : i32
          %dma_wait3A_125 = tpu.memref_slice %arg10[%dma_wait3A_123, %dma_wait3A_124] : memref<256x128xf32, #tpu.memory_space<vmem>> -> memref<128x128xf32, #tpu.memory_space<vmem>>
          %dma_wait3A_126 = arith.constant 0 : i32
          %dma_wait3A_127 = tpu.memref_slice %arg8[%run_scoped3A_113, %dma_wait3A_126] : memref<2x128xi32, #tpu.memory_space<vmem>> -> memref<1x128xi32, #tpu.memory_space<vmem>>
          %dma_wait3A_128 = tpu.memref_squeeze %dma_wait3A_127 : memref<1x128xi32, #tpu.memory_space<vmem>> -> memref<128xi32, #tpu.memory_space<vmem>>
          %dma_wait3A_129 = arith.constant 0 : i32
          %dma_wait3A_130 = arith.constant 0 : i32
          %dma_wait3A_131 = tpu.memref_slice %arg13[%dma_wait3A_129, %dma_wait3A_130] : memref<512x128xf32, #tpu.memory_space<vmem_shared>> -> memref<512x128xf32, #tpu.memory_space<vmem_shared>>
          tpu.wait_indirect_dma semaphore(%run_scoped3A_114 : memref<!tpu.dma_semaphore, #tpu.memory_space<semaphore_mem>>) src(%dma_wait3A_125 : memref<128x128xf32, #tpu.memory_space<vmem>>) dst(%dma_wait3A_131 : memref<512x128xf32, #tpu.memory_space<vmem_shared>>)
          tpu.yield
        }) : () -> ()
      } else {
      }
    }
    %while3A_37 = arith.constant 1 : i32
    scf.for %while3A_54 = %while3A_35 to %while3A_31 step %while3A_37  : i32 {
      %jit3A_55 = arith.constant 2 : i32
      %eq3A_56 = arith.constant 0 : i32
      %eq3A_57 = arith.cmpi eq, %jit3A_55, %eq3A_56 : i32
      %jit3A_58 = arith.constant 1 : i32
      %select_n3A_59 = arith.select %eq3A_57, %jit3A_58, %jit3A_55 : i32
      %rem3A_60 = arith.remsi %while3A_54, %select_n3A_59 : i32
      %ne3A_61 = arith.constant 0 : i32
      %ne3A_62 = arith.cmpi ne, %rem3A_60, %ne3A_61 : i32
      %lt3A = arith.constant 0 : i32
      %lt3A_63 = arith.cmpi slt, %rem3A_60, %lt3A : i32
      %lt3A_64 = arith.constant 0 : i32
      %lt3A_65 = arith.cmpi slt, %select_n3A_59, %lt3A_64 : i32
      %ne3A_66 = arith.xori %lt3A_63, %lt3A_65 : i1
      %and3A_67 = arith.andi %ne3A_66, %ne3A_62 : i1
      %add3A_68 = arith.addi %rem3A_60, %select_n3A_59 : i32
      %select_n3A_69 = arith.select %and3A_67, %add3A_68, %rem3A_60 : i32
      %eq3A_70 = arith.constant 0 : i32
      %eq3A_71 = arith.cmpi eq, %select_n3A_69, %eq3A_70 : i32
      %convert_element_type3A_72 = arith.extui %eq3A_71 : i1 to i32
      %cond3A_73 = arith.constant 0 : i32
      %cond3A_74 = arith.cmpi ne, %convert_element_type3A_72, %cond3A_73 : i32
      scf.if %cond3A_74 {
        %add3A_96 = arith.constant 1 : i32
        %add3A_97 = arith.addi %while3A_54, %add3A_96 : i32
        %lt3A_98 = arith.cmpi slt, %add3A_97, %select_n3A : i32
        %convert_element_type3A_99 = arith.extui %lt3A_98 : i1 to i32
        %cond3A_100 = arith.constant 0 : i32
        %cond3A_101 = arith.cmpi ne, %convert_element_type3A_99, %cond3A_100 : i32
        scf.if %cond3A_101 {
          %add3A_114 = arith.constant 1 : i32
          %add3A_115 = arith.addi %while3A_54, %add3A_114 : i32
          %mul3A_116 = arith.constant 32 : i32
          %mul3A_117 = arith.muli %add3A_115, %mul3A_116 : i32
          %add3A_118 = arith.addi %add3A, %mul3A_117 : i32
          %mul3A_119 = arith.constant 2 : i32
          %mul3A_120 = arith.muli %add3A_118, %mul3A_119 : i32
          %dma_start3A = arith.constant 0 : i32
          %dma_start3A_121 = tpu.memref_slice %arg3[%mul3A_120, %dma_start3A] : memref<782x128xi32, #tpu.memory_space<hbm>> -> memref<2x128xi32, #tpu.memory_space<hbm>>
          %dma_start3A_122 = arith.constant 0 : i32
          %dma_start3A_123 = tpu.memref_slice %arg3[%mul3A_120, %dma_start3A_122] : memref<782x128xi32, #tpu.memory_space<hbm>> -> memref<2x128xi32, #tpu.memory_space<hbm>>
          tpu.enqueue_dma source(%dma_start3A_123 : memref<2x128xi32, #tpu.memory_space<hbm>>) target(%arg8 : memref<2x128xi32, #tpu.memory_space<vmem>>) target_semaphore(%arg15 : memref<!tpu.dma_semaphore, #tpu.memory_space<semaphore_mem>>)
          %mul3A_124 = arith.constant 256 : i32
          %mul3A_125 = arith.muli %add3A_118, %mul3A_124 : i32
          %dma_start3A_126 = arith.constant 0 : i32
          %dma_start3A_127 = tpu.memref_slice %arg2[%mul3A_125, %dma_start3A_126] : memref<100000x128xf32, #tpu.memory_space<hbm>> -> memref<256x128xf32, #tpu.memory_space<hbm>>
          %dma_start3A_128 = arith.constant 0 : i32
          %dma_start3A_129 = tpu.memref_slice %arg2[%mul3A_125, %dma_start3A_128] : memref<100000x128xf32, #tpu.memory_space<hbm>> -> memref<256x128xf32, #tpu.memory_space<hbm>>
          tpu.enqueue_dma source(%dma_start3A_129 : memref<256x128xf32, #tpu.memory_space<hbm>>) target(%arg10 : memref<256x128xf32, #tpu.memory_space<vmem>>) target_semaphore(%arg15 : memref<!tpu.dma_semaphore, #tpu.memory_space<semaphore_mem>>)
        } else {
        }
        %dma_wait3A = arith.constant 0 : i32
        %dma_wait3A_102 = arith.constant 0 : i32
        %dma_wait3A_103 = tpu.memref_slice %arg3[%dma_wait3A, %dma_wait3A_102] : memref<782x128xi32, #tpu.memory_space<hbm>> -> memref<2x128xi32, #tpu.memory_space<hbm>>
        %dma_wait3A_104 = arith.constant 0 : i32
        %dma_wait3A_105 = arith.constant 0 : i32
        %dma_wait3A_106 = tpu.memref_slice %arg3[%dma_wait3A_104, %dma_wait3A_105] : memref<782x128xi32, #tpu.memory_space<hbm>> -> memref<2x128xi32, #tpu.memory_space<hbm>>
        tpu.wait_dma2 semaphore(%arg14 : memref<!tpu.dma_semaphore, #tpu.memory_space<semaphore_mem>>) src(%dma_wait3A_106 : memref<2x128xi32, #tpu.memory_space<hbm>>) dst(%arg7 : memref<2x128xi32, #tpu.memory_space<vmem>>)
        %dma_wait3A_107 = arith.constant 0 : i32
        %dma_wait3A_108 = arith.constant 0 : i32
        %dma_wait3A_109 = tpu.memref_slice %arg2[%dma_wait3A_107, %dma_wait3A_108] : memref<100000x128xf32, #tpu.memory_space<hbm>> -> memref<256x128xf32, #tpu.memory_space<hbm>>
        %dma_wait3A_110 = arith.constant 0 : i32
        %dma_wait3A_111 = arith.constant 0 : i32
        %dma_wait3A_112 = tpu.memref_slice %arg2[%dma_wait3A_110, %dma_wait3A_111] : memref<100000x128xf32, #tpu.memory_space<hbm>> -> memref<256x128xf32, #tpu.memory_space<hbm>>
        tpu.wait_dma2 semaphore(%arg14 : memref<!tpu.dma_semaphore, #tpu.memory_space<semaphore_mem>>) src(%dma_wait3A_112 : memref<256x128xf32, #tpu.memory_space<hbm>>) dst(%arg9 : memref<256x128xf32, #tpu.memory_space<vmem>>)
        %run_scoped3A = arith.constant 0 : i32
        "tpu.region"() ({
          %run_scoped3A_114 = tpu.sem_alloc : memref<!tpu.dma_semaphore, #tpu.memory_space<semaphore_mem>>
          %dma_start3A = arith.constant 0 : i32
          %dma_start3A_115 = arith.constant 0 : i32
          %dma_start3A_116 = tpu.memref_slice %arg9[%dma_start3A, %dma_start3A_115] : memref<256x128xf32, #tpu.memory_space<vmem>> -> memref<128x128xf32, #tpu.memory_space<vmem>>
          %dma_start3A_117 = arith.constant 0 : i32
          %dma_start3A_118 = tpu.memref_slice %arg7[%run_scoped3A, %dma_start3A_117] : memref<2x128xi32, #tpu.memory_space<vmem>> -> memref<1x128xi32, #tpu.memory_space<vmem>>
          %dma_start3A_119 = tpu.memref_squeeze %dma_start3A_118 : memref<1x128xi32, #tpu.memory_space<vmem>> -> memref<128xi32, #tpu.memory_space<vmem>>
          %dma_start3A_120 = arith.constant 0 : i32
          %dma_start3A_121 = arith.constant 0 : i32
          %dma_start3A_122 = tpu.memref_slice %arg13[%dma_start3A_120, %dma_start3A_121] : memref<512x128xf32, #tpu.memory_space<vmem_shared>> -> memref<512x128xf32, #tpu.memory_space<vmem_shared>>
          tpu.enqueue_indirect_dma source(%dma_start3A_116 : memref<128x128xf32, #tpu.memory_space<vmem>>) target(%dma_start3A_122 : memref<512x128xf32, #tpu.memory_space<vmem_shared>>) offsets(%dma_start3A_119 : memref<128xi32, #tpu.memory_space<vmem>>) semaphore(%run_scoped3A_114 : memref<!tpu.dma_semaphore, #tpu.memory_space<semaphore_mem>>) {add = true}
          %dma_wait3A_123 = arith.constant 0 : i32
          %dma_wait3A_124 = arith.constant 0 : i32
          %dma_wait3A_125 = tpu.memref_slice %arg9[%dma_wait3A_123, %dma_wait3A_124] : memref<256x128xf32, #tpu.memory_space<vmem>> -> memref<128x128xf32, #tpu.memory_space<vmem>>
          %dma_wait3A_126 = arith.constant 0 : i32
          %dma_wait3A_127 = tpu.memref_slice %arg7[%run_scoped3A, %dma_wait3A_126] : memref<2x128xi32, #tpu.memory_space<vmem>> -> memref<1x128xi32, #tpu.memory_space<vmem>>
          %dma_wait3A_128 = tpu.memref_squeeze %dma_wait3A_127 : memref<1x128xi32, #tpu.memory_space<vmem>> -> memref<128xi32, #tpu.memory_space<vmem>>
          %dma_wait3A_129 = arith.constant 0 : i32
          %dma_wait3A_130 = arith.constant 0 : i32
          %dma_wait3A_131 = tpu.memref_slice %arg13[%dma_wait3A_129, %dma_wait3A_130] : memref<512x128xf32, #tpu.memory_space<vmem_shared>> -> memref<512x128xf32, #tpu.memory_space<vmem_shared>>
          tpu.wait_indirect_dma semaphore(%run_scoped3A_114 : memref<!tpu.dma_semaphore, #tpu.memory_space<semaphore_mem>>) src(%dma_wait3A_125 : memref<128x128xf32, #tpu.memory_space<vmem>>) dst(%dma_wait3A_131 : memref<512x128xf32, #tpu.memory_space<vmem_shared>>)
          tpu.yield
        }) : () -> ()
        %run_scoped3A_113 = arith.constant 1 : i32
        "tpu.region"() ({
          %run_scoped3A_114 = tpu.sem_alloc : memref<!tpu.dma_semaphore, #tpu.memory_space<semaphore_mem>>
          %dma_start3A = arith.constant 128 : i32
          %dma_start3A_115 = arith.constant 0 : i32
          %dma_start3A_116 = tpu.memref_slice %arg9[%dma_start3A, %dma_start3A_115] : memref<256x128xf32, #tpu.memory_space<vmem>> -> memref<128x128xf32, #tpu.memory_space<vmem>>
          %dma_start3A_117 = arith.constant 0 : i32
          %dma_start3A_118 = tpu.memref_slice %arg7[%run_scoped3A_113, %dma_start3A_117] : memref<2x128xi32, #tpu.memory_space<vmem>> -> memref<1x128xi32, #tpu.memory_space<vmem>>
          %dma_start3A_119 = tpu.memref_squeeze %dma_start3A_118 : memref<1x128xi32, #tpu.memory_space<vmem>> -> memref<128xi32, #tpu.memory_space<vmem>>
          %dma_start3A_120 = arith.constant 0 : i32
          %dma_start3A_121 = arith.constant 0 : i32
          %dma_start3A_122 = tpu.memref_slice %arg13[%dma_start3A_120, %dma_start3A_121] : memref<512x128xf32, #tpu.memory_space<vmem_shared>> -> memref<512x128xf32, #tpu.memory_space<vmem_shared>>
          tpu.enqueue_indirect_dma source(%dma_start3A_116 : memref<128x128xf32, #tpu.memory_space<vmem>>) target(%dma_start3A_122 : memref<512x128xf32, #tpu.memory_space<vmem_shared>>) offsets(%dma_start3A_119 : memref<128xi32, #tpu.memory_space<vmem>>) semaphore(%run_scoped3A_114 : memref<!tpu.dma_semaphore, #tpu.memory_space<semaphore_mem>>) {add = true}
          %dma_wait3A_123 = arith.constant 128 : i32
          %dma_wait3A_124 = arith.constant 0 : i32
          %dma_wait3A_125 = tpu.memref_slice %arg9[%dma_wait3A_123, %dma_wait3A_124] : memref<256x128xf32, #tpu.memory_space<vmem>> -> memref<128x128xf32, #tpu.memory_space<vmem>>
          %dma_wait3A_126 = arith.constant 0 : i32
          %dma_wait3A_127 = tpu.memref_slice %arg7[%run_scoped3A_113, %dma_wait3A_126] : memref<2x128xi32, #tpu.memory_space<vmem>> -> memref<1x128xi32, #tpu.memory_space<vmem>>
          %dma_wait3A_128 = tpu.memref_squeeze %dma_wait3A_127 : memref<1x128xi32, #tpu.memory_space<vmem>> -> memref<128xi32, #tpu.memory_space<vmem>>
          %dma_wait3A_129 = arith.constant 0 : i32
          %dma_wait3A_130 = arith.constant 0 : i32
          %dma_wait3A_131 = tpu.memref_slice %arg13[%dma_wait3A_129, %dma_wait3A_130] : memref<512x128xf32, #tpu.memory_space<vmem_shared>> -> memref<512x128xf32, #tpu.memory_space<vmem_shared>>
          tpu.wait_indirect_dma semaphore(%run_scoped3A_114 : memref<!tpu.dma_semaphore, #tpu.memory_space<semaphore_mem>>) src(%dma_wait3A_125 : memref<128x128xf32, #tpu.memory_space<vmem>>) dst(%dma_wait3A_131 : memref<512x128xf32, #tpu.memory_space<vmem_shared>>)
          tpu.yield
        }) : () -> ()
      } else {
      }
      %jit3A_75 = arith.constant 2 : i32
      %eq3A_76 = arith.constant 0 : i32
      %eq3A_77 = arith.cmpi eq, %jit3A_75, %eq3A_76 : i32
      %jit3A_78 = arith.constant 1 : i32
      %select_n3A_79 = arith.select %eq3A_77, %jit3A_78, %jit3A_75 : i32
      %rem3A_80 = arith.remsi %while3A_54, %select_n3A_79 : i32
      %ne3A_81 = arith.constant 0 : i32
      %ne3A_82 = arith.cmpi ne, %rem3A_80, %ne3A_81 : i32
      %lt3A_83 = arith.constant 0 : i32
      %lt3A_84 = arith.cmpi slt, %rem3A_80, %lt3A_83 : i32
      %lt3A_85 = arith.constant 0 : i32
      %lt3A_86 = arith.cmpi slt, %select_n3A_79, %lt3A_85 : i32
      %ne3A_87 = arith.xori %lt3A_84, %lt3A_86 : i1
      %and3A_88 = arith.andi %ne3A_87, %ne3A_82 : i1
      %add3A_89 = arith.addi %rem3A_80, %select_n3A_79 : i32
      %select_n3A_90 = arith.select %and3A_88, %add3A_89, %rem3A_80 : i32
      %eq3A_91 = arith.constant 1 : i32
      %eq3A_92 = arith.cmpi eq, %select_n3A_90, %eq3A_91 : i32
      %convert_element_type3A_93 = arith.extui %eq3A_92 : i1 to i32
      %cond3A_94 = arith.constant 0 : i32
      %cond3A_95 = arith.cmpi ne, %convert_element_type3A_93, %cond3A_94 : i32
      scf.if %cond3A_95 {
        %add3A_96 = arith.constant 1 : i32
        %add3A_97 = arith.addi %while3A_54, %add3A_96 : i32
        %lt3A_98 = arith.cmpi slt, %add3A_97, %select_n3A : i32
        %convert_element_type3A_99 = arith.extui %lt3A_98 : i1 to i32
        %cond3A_100 = arith.constant 0 : i32
        %cond3A_101 = arith.cmpi ne, %convert_element_type3A_99, %cond3A_100 : i32
        scf.if %cond3A_101 {
          %add3A_114 = arith.constant 1 : i32
          %add3A_115 = arith.addi %while3A_54, %add3A_114 : i32
          %mul3A_116 = arith.constant 32 : i32
          %mul3A_117 = arith.muli %add3A_115, %mul3A_116 : i32
          %add3A_118 = arith.addi %add3A, %mul3A_117 : i32
          %mul3A_119 = arith.constant 2 : i32
          %mul3A_120 = arith.muli %add3A_118, %mul3A_119 : i32
          %dma_start3A = arith.constant 0 : i32
          %dma_start3A_121 = tpu.memref_slice %arg3[%mul3A_120, %dma_start3A] : memref<782x128xi32, #tpu.memory_space<hbm>> -> memref<2x128xi32, #tpu.memory_space<hbm>>
          %dma_start3A_122 = arith.constant 0 : i32
          %dma_start3A_123 = tpu.memref_slice %arg3[%mul3A_120, %dma_start3A_122] : memref<782x128xi32, #tpu.memory_space<hbm>> -> memref<2x128xi32, #tpu.memory_space<hbm>>
          tpu.enqueue_dma source(%dma_start3A_123 : memref<2x128xi32, #tpu.memory_space<hbm>>) target(%arg7 : memref<2x128xi32, #tpu.memory_space<vmem>>) target_semaphore(%arg14 : memref<!tpu.dma_semaphore, #tpu.memory_space<semaphore_mem>>)
          %mul3A_124 = arith.constant 256 : i32
          %mul3A_125 = arith.muli %add3A_118, %mul3A_124 : i32
          %dma_start3A_126 = arith.constant 0 : i32
          %dma_start3A_127 = tpu.memref_slice %arg2[%mul3A_125, %dma_start3A_126] : memref<100000x128xf32, #tpu.memory_space<hbm>> -> memref<256x128xf32, #tpu.memory_space<hbm>>
          %dma_start3A_128 = arith.constant 0 : i32
          %dma_start3A_129 = tpu.memref_slice %arg2[%mul3A_125, %dma_start3A_128] : memref<100000x128xf32, #tpu.memory_space<hbm>> -> memref<256x128xf32, #tpu.memory_space<hbm>>
          tpu.enqueue_dma source(%dma_start3A_129 : memref<256x128xf32, #tpu.memory_space<hbm>>) target(%arg9 : memref<256x128xf32, #tpu.memory_space<vmem>>) target_semaphore(%arg14 : memref<!tpu.dma_semaphore, #tpu.memory_space<semaphore_mem>>)
        } else {
        }
        %dma_wait3A = arith.constant 0 : i32
        %dma_wait3A_102 = arith.constant 0 : i32
        %dma_wait3A_103 = tpu.memref_slice %arg3[%dma_wait3A, %dma_wait3A_102] : memref<782x128xi32, #tpu.memory_space<hbm>> -> memref<2x128xi32, #tpu.memory_space<hbm>>
        %dma_wait3A_104 = arith.constant 0 : i32
        %dma_wait3A_105 = arith.constant 0 : i32
        %dma_wait3A_106 = tpu.memref_slice %arg3[%dma_wait3A_104, %dma_wait3A_105] : memref<782x128xi32, #tpu.memory_space<hbm>> -> memref<2x128xi32, #tpu.memory_space<hbm>>
        tpu.wait_dma2 semaphore(%arg15 : memref<!tpu.dma_semaphore, #tpu.memory_space<semaphore_mem>>) src(%dma_wait3A_106 : memref<2x128xi32, #tpu.memory_space<hbm>>) dst(%arg8 : memref<2x128xi32, #tpu.memory_space<vmem>>)
        %dma_wait3A_107 = arith.constant 0 : i32
        %dma_wait3A_108 = arith.constant 0 : i32
        %dma_wait3A_109 = tpu.memref_slice %arg2[%dma_wait3A_107, %dma_wait3A_108] : memref<100000x128xf32, #tpu.memory_space<hbm>> -> memref<256x128xf32, #tpu.memory_space<hbm>>
        %dma_wait3A_110 = arith.constant 0 : i32
        %dma_wait3A_111 = arith.constant 0 : i32
        %dma_wait3A_112 = tpu.memref_slice %arg2[%dma_wait3A_110, %dma_wait3A_111] : memref<100000x128xf32, #tpu.memory_space<hbm>> -> memref<256x128xf32, #tpu.memory_space<hbm>>
        tpu.wait_dma2 semaphore(%arg15 : memref<!tpu.dma_semaphore, #tpu.memory_space<semaphore_mem>>) src(%dma_wait3A_112 : memref<256x128xf32, #tpu.memory_space<hbm>>) dst(%arg10 : memref<256x128xf32, #tpu.memory_space<vmem>>)
        %run_scoped3A = arith.constant 0 : i32
        "tpu.region"() ({
          %run_scoped3A_114 = tpu.sem_alloc : memref<!tpu.dma_semaphore, #tpu.memory_space<semaphore_mem>>
          %dma_start3A = arith.constant 0 : i32
          %dma_start3A_115 = arith.constant 0 : i32
          %dma_start3A_116 = tpu.memref_slice %arg10[%dma_start3A, %dma_start3A_115] : memref<256x128xf32, #tpu.memory_space<vmem>> -> memref<128x128xf32, #tpu.memory_space<vmem>>
          %dma_start3A_117 = arith.constant 0 : i32
          %dma_start3A_118 = tpu.memref_slice %arg8[%run_scoped3A, %dma_start3A_117] : memref<2x128xi32, #tpu.memory_space<vmem>> -> memref<1x128xi32, #tpu.memory_space<vmem>>
          %dma_start3A_119 = tpu.memref_squeeze %dma_start3A_118 : memref<1x128xi32, #tpu.memory_space<vmem>> -> memref<128xi32, #tpu.memory_space<vmem>>
          %dma_start3A_120 = arith.constant 0 : i32
          %dma_start3A_121 = arith.constant 0 : i32
          %dma_start3A_122 = tpu.memref_slice %arg13[%dma_start3A_120, %dma_start3A_121] : memref<512x128xf32, #tpu.memory_space<vmem_shared>> -> memref<512x128xf32, #tpu.memory_space<vmem_shared>>
          tpu.enqueue_indirect_dma source(%dma_start3A_116 : memref<128x128xf32, #tpu.memory_space<vmem>>) target(%dma_start3A_122 : memref<512x128xf32, #tpu.memory_space<vmem_shared>>) offsets(%dma_start3A_119 : memref<128xi32, #tpu.memory_space<vmem>>) semaphore(%run_scoped3A_114 : memref<!tpu.dma_semaphore, #tpu.memory_space<semaphore_mem>>) {add = true}
          %dma_wait3A_123 = arith.constant 0 : i32
          %dma_wait3A_124 = arith.constant 0 : i32
          %dma_wait3A_125 = tpu.memref_slice %arg10[%dma_wait3A_123, %dma_wait3A_124] : memref<256x128xf32, #tpu.memory_space<vmem>> -> memref<128x128xf32, #tpu.memory_space<vmem>>
          %dma_wait3A_126 = arith.constant 0 : i32
          %dma_wait3A_127 = tpu.memref_slice %arg8[%run_scoped3A, %dma_wait3A_126] : memref<2x128xi32, #tpu.memory_space<vmem>> -> memref<1x128xi32, #tpu.memory_space<vmem>>
          %dma_wait3A_128 = tpu.memref_squeeze %dma_wait3A_127 : memref<1x128xi32, #tpu.memory_space<vmem>> -> memref<128xi32, #tpu.memory_space<vmem>>
          %dma_wait3A_129 = arith.constant 0 : i32
          %dma_wait3A_130 = arith.constant 0 : i32
          %dma_wait3A_131 = tpu.memref_slice %arg13[%dma_wait3A_129, %dma_wait3A_130] : memref<512x128xf32, #tpu.memory_space<vmem_shared>> -> memref<512x128xf32, #tpu.memory_space<vmem_shared>>
          tpu.wait_indirect_dma semaphore(%run_scoped3A_114 : memref<!tpu.dma_semaphore, #tpu.memory_space<semaphore_mem>>) src(%dma_wait3A_125 : memref<128x128xf32, #tpu.memory_space<vmem>>) dst(%dma_wait3A_131 : memref<512x128xf32, #tpu.memory_space<vmem_shared>>)
          tpu.yield
        }) : () -> ()
        %run_scoped3A_113 = arith.constant 1 : i32
        "tpu.region"() ({
          %run_scoped3A_114 = tpu.sem_alloc : memref<!tpu.dma_semaphore, #tpu.memory_space<semaphore_mem>>
          %dma_start3A = arith.constant 128 : i32
          %dma_start3A_115 = arith.constant 0 : i32
          %dma_start3A_116 = tpu.memref_slice %arg10[%dma_start3A, %dma_start3A_115] : memref<256x128xf32, #tpu.memory_space<vmem>> -> memref<128x128xf32, #tpu.memory_space<vmem>>
          %dma_start3A_117 = arith.constant 0 : i32
          %dma_start3A_118 = tpu.memref_slice %arg8[%run_scoped3A_113, %dma_start3A_117] : memref<2x128xi32, #tpu.memory_space<vmem>> -> memref<1x128xi32, #tpu.memory_space<vmem>>
          %dma_start3A_119 = tpu.memref_squeeze %dma_start3A_118 : memref<1x128xi32, #tpu.memory_space<vmem>> -> memref<128xi32, #tpu.memory_space<vmem>>
          %dma_start3A_120 = arith.constant 0 : i32
          %dma_start3A_121 = arith.constant 0 : i32
          %dma_start3A_122 = tpu.memref_slice %arg13[%dma_start3A_120, %dma_start3A_121] : memref<512x128xf32, #tpu.memory_space<vmem_shared>> -> memref<512x128xf32, #tpu.memory_space<vmem_shared>>
          tpu.enqueue_indirect_dma source(%dma_start3A_116 : memref<128x128xf32, #tpu.memory_space<vmem>>) target(%dma_start3A_122 : memref<512x128xf32, #tpu.memory_space<vmem_shared>>) offsets(%dma_start3A_119 : memref<128xi32, #tpu.memory_space<vmem>>) semaphore(%run_scoped3A_114 : memref<!tpu.dma_semaphore, #tpu.memory_space<semaphore_mem>>) {add = true}
          %dma_wait3A_123 = arith.constant 128 : i32
          %dma_wait3A_124 = arith.constant 0 : i32
          %dma_wait3A_125 = tpu.memref_slice %arg10[%dma_wait3A_123, %dma_wait3A_124] : memref<256x128xf32, #tpu.memory_space<vmem>> -> memref<128x128xf32, #tpu.memory_space<vmem>>
          %dma_wait3A_126 = arith.constant 0 : i32
          %dma_wait3A_127 = tpu.memref_slice %arg8[%run_scoped3A_113, %dma_wait3A_126] : memref<2x128xi32, #tpu.memory_space<vmem>> -> memref<1x128xi32, #tpu.memory_space<vmem>>
          %dma_wait3A_128 = tpu.memref_squeeze %dma_wait3A_127 : memref<1x128xi32, #tpu.memory_space<vmem>> -> memref<128xi32, #tpu.memory_space<vmem>>
          %dma_wait3A_129 = arith.constant 0 : i32
          %dma_wait3A_130 = arith.constant 0 : i32
          %dma_wait3A_131 = tpu.memref_slice %arg13[%dma_wait3A_129, %dma_wait3A_130] : memref<512x128xf32, #tpu.memory_space<vmem_shared>> -> memref<512x128xf32, #tpu.memory_space<vmem_shared>>
          tpu.wait_indirect_dma semaphore(%run_scoped3A_114 : memref<!tpu.dma_semaphore, #tpu.memory_space<semaphore_mem>>) src(%dma_wait3A_125 : memref<128x128xf32, #tpu.memory_space<vmem>>) dst(%dma_wait3A_131 : memref<512x128xf32, #tpu.memory_space<vmem_shared>>)
          tpu.yield
        }) : () -> ()
      } else {
      }
    }
    %eq3A_38 = arith.constant 30 : i32
    %eq3A_39 = arith.cmpi eq, %add3A, %eq3A_38 : i32
    %convert_element_type3A_40 = arith.extui %eq3A_39 : i1 to i32
    %cond3A_41 = arith.constant 0 : i32
    %cond3A_42 = arith.cmpi ne, %convert_element_type3A_40, %cond3A_41 : i32
    scf.if %cond3A_42 {
      "tpu.region"() ({
        %run_scoped3A_54 = tpu.sem_alloc : memref<!tpu.dma_semaphore, #tpu.memory_space<semaphore_mem>>
        %dma_start3A = arith.constant 780 : i32
        %dma_start3A_55 = arith.constant 0 : i32
        %dma_start3A_56 = tpu.memref_slice %arg3[%dma_start3A, %dma_start3A_55] : memref<782x128xi32, #tpu.memory_space<hbm>> -> memref<1x128xi32, #tpu.memory_space<hbm>>
        %dma_start3A_57 = arith.constant 780 : i32
        %dma_start3A_58 = arith.constant 0 : i32
        %dma_start3A_59 = tpu.memref_slice %arg3[%dma_start3A_57, %dma_start3A_58] : memref<782x128xi32, #tpu.memory_space<hbm>> -> memref<1x128xi32, #tpu.memory_space<hbm>>
        tpu.enqueue_dma source(%dma_start3A_59 : memref<1x128xi32, #tpu.memory_space<hbm>>) target(%arg11 : memref<1x128xi32, #tpu.memory_space<vmem>>) target_semaphore(%run_scoped3A_54 : memref<!tpu.dma_semaphore, #tpu.memory_space<semaphore_mem>>)
        %dma_wait3A = arith.constant 780 : i32
        %dma_wait3A_60 = arith.constant 0 : i32
        %dma_wait3A_61 = tpu.memref_slice %arg3[%dma_wait3A, %dma_wait3A_60] : memref<782x128xi32, #tpu.memory_space<hbm>> -> memref<1x128xi32, #tpu.memory_space<hbm>>
        %dma_wait3A_62 = arith.constant 780 : i32
        %dma_wait3A_63 = arith.constant 0 : i32
        %dma_wait3A_64 = tpu.memref_slice %arg3[%dma_wait3A_62, %dma_wait3A_63] : memref<782x128xi32, #tpu.memory_space<hbm>> -> memref<1x128xi32, #tpu.memory_space<hbm>>
        tpu.wait_dma2 semaphore(%run_scoped3A_54 : memref<!tpu.dma_semaphore, #tpu.memory_space<semaphore_mem>>) src(%dma_wait3A_64 : memref<1x128xi32, #tpu.memory_space<hbm>>) dst(%arg11 : memref<1x128xi32, #tpu.memory_space<vmem>>)
        tpu.yield
      }) : () -> ()
      "tpu.region"() ({
        %run_scoped3A_54 = tpu.sem_alloc : memref<!tpu.dma_semaphore, #tpu.memory_space<semaphore_mem>>
        %dma_start3A = arith.constant 0 : i32
        %dma_start3A_55 = arith.constant 0 : i32
        %dma_start3A_56 = tpu.memref_slice %arg9[%dma_start3A, %dma_start3A_55] : memref<256x128xf32, #tpu.memory_space<vmem>> -> memref<128x128xf32, #tpu.memory_space<vmem>>
        %dma_start3A_57 = arith.constant 99840 : i32
        %dma_start3A_58 = arith.constant 0 : i32
        %dma_start3A_59 = tpu.memref_slice %arg2[%dma_start3A_57, %dma_start3A_58] : memref<100000x128xf32, #tpu.memory_space<hbm>> -> memref<128x128xf32, #tpu.memory_space<hbm>>
        %dma_start3A_60 = arith.constant 0 : i32
        %dma_start3A_61 = arith.constant 0 : i32
        %dma_start3A_62 = tpu.memref_slice %arg9[%dma_start3A_60, %dma_start3A_61] : memref<256x128xf32, #tpu.memory_space<vmem>> -> memref<128x128xf32, #tpu.memory_space<vmem>>
        %dma_start3A_63 = arith.constant 99840 : i32
        %dma_start3A_64 = arith.constant 0 : i32
        %dma_start3A_65 = tpu.memref_slice %arg2[%dma_start3A_63, %dma_start3A_64] : memref<100000x128xf32, #tpu.memory_space<hbm>> -> memref<128x128xf32, #tpu.memory_space<hbm>>
        tpu.enqueue_dma source(%dma_start3A_65 : memref<128x128xf32, #tpu.memory_space<hbm>>) target(%dma_start3A_62 : memref<128x128xf32, #tpu.memory_space<vmem>>) target_semaphore(%run_scoped3A_54 : memref<!tpu.dma_semaphore, #tpu.memory_space<semaphore_mem>>)
        %dma_wait3A = arith.constant 0 : i32
        %dma_wait3A_66 = arith.constant 0 : i32
        %dma_wait3A_67 = tpu.memref_slice %arg9[%dma_wait3A, %dma_wait3A_66] : memref<256x128xf32, #tpu.memory_space<vmem>> -> memref<128x128xf32, #tpu.memory_space<vmem>>
        %dma_wait3A_68 = arith.constant 99840 : i32
        %dma_wait3A_69 = arith.constant 0 : i32
        %dma_wait3A_70 = tpu.memref_slice %arg2[%dma_wait3A_68, %dma_wait3A_69] : memref<100000x128xf32, #tpu.memory_space<hbm>> -> memref<128x128xf32, #tpu.memory_space<hbm>>
        %dma_wait3A_71 = arith.constant 0 : i32
        %dma_wait3A_72 = arith.constant 0 : i32
        %dma_wait3A_73 = tpu.memref_slice %arg9[%dma_wait3A_71, %dma_wait3A_72] : memref<256x128xf32, #tpu.memory_space<vmem>> -> memref<128x128xf32, #tpu.memory_space<vmem>>
        %dma_wait3A_74 = arith.constant 99840 : i32
        %dma_wait3A_75 = arith.constant 0 : i32
        %dma_wait3A_76 = tpu.memref_slice %arg2[%dma_wait3A_74, %dma_wait3A_75] : memref<100000x128xf32, #tpu.memory_space<hbm>> -> memref<128x128xf32, #tpu.memory_space<hbm>>
        tpu.wait_dma2 semaphore(%run_scoped3A_54 : memref<!tpu.dma_semaphore, #tpu.memory_space<semaphore_mem>>) src(%dma_wait3A_76 : memref<128x128xf32, #tpu.memory_space<hbm>>) dst(%dma_wait3A_73 : memref<128x128xf32, #tpu.memory_space<vmem>>)
        tpu.yield
      }) : () -> ()
      %run_scoped3A = arith.constant 0 : i32
      "tpu.region"() ({
        %run_scoped3A_54 = tpu.sem_alloc : memref<!tpu.dma_semaphore, #tpu.memory_space<semaphore_mem>>
        %dma_start3A = arith.constant 0 : i32
        %dma_start3A_55 = arith.constant 0 : i32
        %dma_start3A_56 = tpu.memref_slice %arg9[%dma_start3A, %dma_start3A_55] : memref<256x128xf32, #tpu.memory_space<vmem>> -> memref<128x128xf32, #tpu.memory_space<vmem>>
        %dma_start3A_57 = arith.constant 0 : i32
        %dma_start3A_58 = tpu.memref_slice %arg11[%run_scoped3A, %dma_start3A_57] : memref<1x128xi32, #tpu.memory_space<vmem>> -> memref<1x128xi32, #tpu.memory_space<vmem>>
        %dma_start3A_59 = tpu.memref_squeeze %dma_start3A_58 : memref<1x128xi32, #tpu.memory_space<vmem>> -> memref<128xi32, #tpu.memory_space<vmem>>
        %dma_start3A_60 = arith.constant 0 : i32
        %dma_start3A_61 = arith.constant 0 : i32
        %dma_start3A_62 = tpu.memref_slice %arg13[%dma_start3A_60, %dma_start3A_61] : memref<512x128xf32, #tpu.memory_space<vmem_shared>> -> memref<512x128xf32, #tpu.memory_space<vmem_shared>>
        tpu.enqueue_indirect_dma source(%dma_start3A_56 : memref<128x128xf32, #tpu.memory_space<vmem>>) target(%dma_start3A_62 : memref<512x128xf32, #tpu.memory_space<vmem_shared>>) offsets(%dma_start3A_59 : memref<128xi32, #tpu.memory_space<vmem>>) semaphore(%run_scoped3A_54 : memref<!tpu.dma_semaphore, #tpu.memory_space<semaphore_mem>>) {add = true}
        %dma_wait3A = arith.constant 0 : i32
        %dma_wait3A_63 = arith.constant 0 : i32
        %dma_wait3A_64 = tpu.memref_slice %arg9[%dma_wait3A, %dma_wait3A_63] : memref<256x128xf32, #tpu.memory_space<vmem>> -> memref<128x128xf32, #tpu.memory_space<vmem>>
        %dma_wait3A_65 = arith.constant 0 : i32
        %dma_wait3A_66 = tpu.memref_slice %arg11[%run_scoped3A, %dma_wait3A_65] : memref<1x128xi32, #tpu.memory_space<vmem>> -> memref<1x128xi32, #tpu.memory_space<vmem>>
        %dma_wait3A_67 = tpu.memref_squeeze %dma_wait3A_66 : memref<1x128xi32, #tpu.memory_space<vmem>> -> memref<128xi32, #tpu.memory_space<vmem>>
        %dma_wait3A_68 = arith.constant 0 : i32
        %dma_wait3A_69 = arith.constant 0 : i32
        %dma_wait3A_70 = tpu.memref_slice %arg13[%dma_wait3A_68, %dma_wait3A_69] : memref<512x128xf32, #tpu.memory_space<vmem_shared>> -> memref<512x128xf32, #tpu.memory_space<vmem_shared>>
        tpu.wait_indirect_dma semaphore(%run_scoped3A_54 : memref<!tpu.dma_semaphore, #tpu.memory_space<semaphore_mem>>) src(%dma_wait3A_64 : memref<128x128xf32, #tpu.memory_space<vmem>>) dst(%dma_wait3A_70 : memref<512x128xf32, #tpu.memory_space<vmem_shared>>)
        tpu.yield
      }) : () -> ()
    } else {
    }
    %eq3A_43 = arith.constant 31 : i32
    %eq3A_44 = arith.cmpi eq, %add3A, %eq3A_43 : i32
    %convert_element_type3A_45 = arith.extui %eq3A_44 : i1 to i32
    %cond3A_46 = arith.constant 0 : i32
    %cond3A_47 = arith.cmpi ne, %convert_element_type3A_45, %cond3A_46 : i32
    scf.if %cond3A_47 {
      "tpu.region"() ({
        %run_scoped3A = tpu.sem_alloc : memref<!tpu.dma_semaphore, #tpu.memory_space<semaphore_mem>>
        %dma_start3A = arith.constant 99968 : i32
        %dma_start3A_54 = tpu.memref_slice %arg4[%dma_start3A] : memref<100000xi32, #tpu.memory_space<hbm>> -> memref<32xi32, #tpu.memory_space<hbm>>
        %dma_start3A_55 = arith.constant 99968 : i32
        %dma_start3A_56 = tpu.memref_slice %arg4[%dma_start3A_55] : memref<100000xi32, #tpu.memory_space<hbm>> -> memref<32xi32, #tpu.memory_space<hbm>>
        tpu.enqueue_dma source(%dma_start3A_56 : memref<32xi32, #tpu.memory_space<hbm>>) target(%arg12 : memref<32xi32, #tpu.memory_space<vmem>>) target_semaphore(%run_scoped3A : memref<!tpu.dma_semaphore, #tpu.memory_space<semaphore_mem>>)
        %dma_wait3A = arith.constant 99968 : i32
        %dma_wait3A_57 = tpu.memref_slice %arg4[%dma_wait3A] : memref<100000xi32, #tpu.memory_space<hbm>> -> memref<32xi32, #tpu.memory_space<hbm>>
        %dma_wait3A_58 = arith.constant 99968 : i32
        %dma_wait3A_59 = tpu.memref_slice %arg4[%dma_wait3A_58] : memref<100000xi32, #tpu.memory_space<hbm>> -> memref<32xi32, #tpu.memory_space<hbm>>
        tpu.wait_dma2 semaphore(%run_scoped3A : memref<!tpu.dma_semaphore, #tpu.memory_space<semaphore_mem>>) src(%dma_wait3A_59 : memref<32xi32, #tpu.memory_space<hbm>>) dst(%arg12 : memref<32xi32, #tpu.memory_space<vmem>>)
        tpu.yield
      }) : () -> ()
      "tpu.region"() ({
        %run_scoped3A = tpu.sem_alloc : memref<!tpu.dma_semaphore, #tpu.memory_space<semaphore_mem>>
        %dma_start3A = arith.constant 0 : i32
        %dma_start3A_54 = arith.constant 0 : i32
        %dma_start3A_55 = tpu.memref_slice %arg10[%dma_start3A, %dma_start3A_54] : memref<256x128xf32, #tpu.memory_space<vmem>> -> memref<32x128xf32, #tpu.memory_space<vmem>>
        %dma_start3A_56 = arith.constant 99968 : i32
        %dma_start3A_57 = arith.constant 0 : i32
        %dma_start3A_58 = tpu.memref_slice %arg2[%dma_start3A_56, %dma_start3A_57] : memref<100000x128xf32, #tpu.memory_space<hbm>> -> memref<32x128xf32, #tpu.memory_space<hbm>>
        %dma_start3A_59 = arith.constant 0 : i32
        %dma_start3A_60 = arith.constant 0 : i32
        %dma_start3A_61 = tpu.memref_slice %arg10[%dma_start3A_59, %dma_start3A_60] : memref<256x128xf32, #tpu.memory_space<vmem>> -> memref<32x128xf32, #tpu.memory_space<vmem>>
        %dma_start3A_62 = arith.constant 99968 : i32
        %dma_start3A_63 = arith.constant 0 : i32
        %dma_start3A_64 = tpu.memref_slice %arg2[%dma_start3A_62, %dma_start3A_63] : memref<100000x128xf32, #tpu.memory_space<hbm>> -> memref<32x128xf32, #tpu.memory_space<hbm>>
        tpu.enqueue_dma source(%dma_start3A_64 : memref<32x128xf32, #tpu.memory_space<hbm>>) target(%dma_start3A_61 : memref<32x128xf32, #tpu.memory_space<vmem>>) target_semaphore(%run_scoped3A : memref<!tpu.dma_semaphore, #tpu.memory_space<semaphore_mem>>)
        %dma_wait3A = arith.constant 0 : i32
        %dma_wait3A_65 = arith.constant 0 : i32
        %dma_wait3A_66 = tpu.memref_slice %arg10[%dma_wait3A, %dma_wait3A_65] : memref<256x128xf32, #tpu.memory_space<vmem>> -> memref<32x128xf32, #tpu.memory_space<vmem>>
        %dma_wait3A_67 = arith.constant 99968 : i32
        %dma_wait3A_68 = arith.constant 0 : i32
        %dma_wait3A_69 = tpu.memref_slice %arg2[%dma_wait3A_67, %dma_wait3A_68] : memref<100000x128xf32, #tpu.memory_space<hbm>> -> memref<32x128xf32, #tpu.memory_space<hbm>>
        %dma_wait3A_70 = arith.constant 0 : i32
        %dma_wait3A_71 = arith.constant 0 : i32
        %dma_wait3A_72 = tpu.memref_slice %arg10[%dma_wait3A_70, %dma_wait3A_71] : memref<256x128xf32, #tpu.memory_space<vmem>> -> memref<32x128xf32, #tpu.memory_space<vmem>>
        %dma_wait3A_73 = arith.constant 99968 : i32
        %dma_wait3A_74 = arith.constant 0 : i32
        %dma_wait3A_75 = tpu.memref_slice %arg2[%dma_wait3A_73, %dma_wait3A_74] : memref<100000x128xf32, #tpu.memory_space<hbm>> -> memref<32x128xf32, #tpu.memory_space<hbm>>
        tpu.wait_dma2 semaphore(%run_scoped3A : memref<!tpu.dma_semaphore, #tpu.memory_space<semaphore_mem>>) src(%dma_wait3A_75 : memref<32x128xf32, #tpu.memory_space<hbm>>) dst(%dma_wait3A_72 : memref<32x128xf32, #tpu.memory_space<vmem>>)
        tpu.yield
      }) : () -> ()
      "tpu.region"() ({
        %run_scoped3A = tpu.sem_alloc : memref<!tpu.dma_semaphore, #tpu.memory_space<semaphore_mem>>
        %dma_start3A = arith.constant 0 : i32
        %dma_start3A_54 = arith.constant 0 : i32
        %dma_start3A_55 = tpu.memref_slice %arg10[%dma_start3A, %dma_start3A_54] : memref<256x128xf32, #tpu.memory_space<vmem>> -> memref<32x128xf32, #tpu.memory_space<vmem>>
        %dma_start3A_56 = arith.constant 0 : i32
        %dma_start3A_57 = arith.constant 0 : i32
        %dma_start3A_58 = tpu.memref_slice %arg13[%dma_start3A_56, %dma_start3A_57] : memref<512x128xf32, #tpu.memory_space<vmem_shared>> -> memref<512x128xf32, #tpu.memory_space<vmem_shared>>
        tpu.enqueue_indirect_dma source(%dma_start3A_55 : memref<32x128xf32, #tpu.memory_space<vmem>>) target(%dma_start3A_58 : memref<512x128xf32, #tpu.memory_space<vmem_shared>>) offsets(%arg12 : memref<32xi32, #tpu.memory_space<vmem>>) semaphore(%run_scoped3A : memref<!tpu.dma_semaphore, #tpu.memory_space<semaphore_mem>>) {add = true}
        %dma_wait3A = arith.constant 0 : i32
        %dma_wait3A_59 = arith.constant 0 : i32
        %dma_wait3A_60 = tpu.memref_slice %arg10[%dma_wait3A, %dma_wait3A_59] : memref<256x128xf32, #tpu.memory_space<vmem>> -> memref<32x128xf32, #tpu.memory_space<vmem>>
        %dma_wait3A_61 = arith.constant 0 : i32
        %dma_wait3A_62 = arith.constant 0 : i32
        %dma_wait3A_63 = tpu.memref_slice %arg13[%dma_wait3A_61, %dma_wait3A_62] : memref<512x128xf32, #tpu.memory_space<vmem_shared>> -> memref<512x128xf32, #tpu.memory_space<vmem_shared>>
        tpu.wait_indirect_dma semaphore(%run_scoped3A : memref<!tpu.dma_semaphore, #tpu.memory_space<semaphore_mem>>) src(%dma_wait3A_60 : memref<32x128xf32, #tpu.memory_space<vmem>>) dst(%dma_wait3A_63 : memref<512x128xf32, #tpu.memory_space<vmem_shared>>)
        tpu.yield
      }) : () -> ()
    } else {
    }
    %barrier3A_48 = arith.constant 0 : index
    tpu.barrier barrier_id(%barrier3A_48)
    %eq3A_49 = arith.constant 0 : i32
    %eq3A_50 = arith.cmpi eq, %arg1, %eq3A_49 : i32
    %convert_element_type3A_51 = arith.extui %eq3A_50 : i1 to i32
    %cond3A_52 = arith.constant 0 : i32
    %cond3A_53 = arith.cmpi ne, %convert_element_type3A_51, %cond3A_52 : i32
    scf.if %cond3A_53 {
      "tpu.region"() ({
        %run_scoped3A = tpu.sem_alloc : memref<!tpu.dma_semaphore, #tpu.memory_space<semaphore_mem>>
        %dma_start3A = arith.constant 0 : i32
        %dma_start3A_54 = arith.constant 0 : i32
        %dma_start3A_55 = tpu.memref_slice %arg6[%arg0, %dma_start3A, %dma_start3A_54] : memref<2x512x128xf32, #tpu.memory_space<hbm>> -> memref<1x512x128xf32, #tpu.memory_space<hbm>>
        %dma_start3A_56 = tpu.memref_squeeze %dma_start3A_55 : memref<1x512x128xf32, #tpu.memory_space<hbm>> -> memref<512x128xf32, #tpu.memory_space<hbm>>
        tpu.enqueue_dma source(%arg13 : memref<512x128xf32, #tpu.memory_space<vmem_shared>>) target(%dma_start3A_56 : memref<512x128xf32, #tpu.memory_space<hbm>>) target_semaphore(%run_scoped3A : memref<!tpu.dma_semaphore, #tpu.memory_space<semaphore_mem>>)
        %dma_wait3A = arith.constant 0 : i32
        %dma_wait3A_57 = arith.constant 0 : i32
        %dma_wait3A_58 = tpu.memref_slice %arg6[%arg0, %dma_wait3A, %dma_wait3A_57] : memref<2x512x128xf32, #tpu.memory_space<hbm>> -> memref<1x512x128xf32, #tpu.memory_space<hbm>>
        %dma_wait3A_59 = tpu.memref_squeeze %dma_wait3A_58 : memref<1x512x128xf32, #tpu.memory_space<hbm>> -> memref<512x128xf32, #tpu.memory_space<hbm>>
        tpu.wait_dma2 semaphore(%run_scoped3A : memref<!tpu.dma_semaphore, #tpu.memory_space<semaphore_mem>>) src(%arg13 : memref<512x128xf32, #tpu.memory_space<vmem_shared>>) dst(%dma_wait3A_59 : memref<512x128xf32, #tpu.memory_space<hbm>>)
        tpu.yield
      }) : () -> ()
    } else {
    }
    return
  }
}

module attributes {stable_mosaic.version = 14 : i64} {
  func.func @_mlp_body(%arg0: i32, %arg1: memref<1x1x5000xi32, #tpu.memory_space<vmem>>, %arg2: memref<5000x128xf32, #tpu.memory_space<vmem>>, %arg3: memref<128x144xf32, #tpu.memory_space<vmem>>, %arg4: memref<128x16xf32, #tpu.memory_space<vmem>>, %arg5: memref<1x10x5000xf32, #tpu.memory_space<vmem>>, %arg6: memref<1x16x5000xf32, #tpu.memory_space<vmem>>, %arg7: memref<576x32xf32, #tpu.memory_space<vmem>>) attributes {dimension_semantics = [#tpu.dimension_semantics<arbitrary>], iteration_bounds = array<i64: 20>, scalar_prefetch = 0 : i64, scratch_operands = 0 : i64, tpu.core_type = #tpu.core_type<tc>, window_params = [{transform_indices = @transform_0, window_bounds = array<i64: 1, 1, 5000>}, {transform_indices = @transform_1, window_bounds = array<i64: 5000, 128>}, {pipeline_mode = #tpu.pipeline_mode<synchronous>, transform_indices = @transform_2, window_bounds = array<i64: 128, 144>}, {pipeline_mode = #tpu.pipeline_mode<synchronous>, transform_indices = @transform_3, window_bounds = array<i64: 128, 16>}, {transform_indices = @transform_4, window_bounds = array<i64: 1, 10, 5000>}, {transform_indices = @transform_5, window_bounds = array<i64: 1, 16, 5000>}, {pipeline_mode = #tpu.pipeline_mode<synchronous>, transform_indices = @transform_6, window_bounds = array<i64: 576, 32>}]} {
    %get3A = arith.constant 0 : index
    %get3A_0 = arith.constant 0 : index
    %get3A_1 = vector.load %arg2[%get3A, %get3A_0] : memref<5000x128xf32, #tpu.memory_space<vmem>>, vector<5000x128xf32>
    %convert_element_type3A = arith.truncf %get3A_1 : vector<5000x128xf32> to vector<5000x128xbf16>
    %get3A_2 = arith.constant 0 : index
    %get3A_3 = arith.constant 0 : index
    %get3A_4 = vector.load %arg3[%get3A_2, %get3A_3] : memref<128x144xf32, #tpu.memory_space<vmem>>, vector<128x144xf32>
    %convert_element_type3A_5 = arith.truncf %get3A_4 : vector<128x144xf32> to vector<128x144xbf16>
    %dot_general3A = arith.constant dense<0.000000e+00> : vector<5000x144xf32>
    %dot_general3A_6 = tpu.matmul %convert_element_type3A, %convert_element_type3A_5, %dot_general3A {dimension_numbers = #tpu.dot_dimension_numbers<[1], [0], [0], [1], [0, 0, 1, 1], [], []>, transpose_lhs_hint = false} : vector<5000x128xbf16>, vector<128x144xbf16>, vector<5000x144xf32> -> vector<5000x144xf32>
    %slice3A = vector.extract_strided_slice %dot_general3A_6 {offsets = [0, 0], sizes = [5000, 128], strides = [1, 1]} : vector<5000x144xf32> to vector<5000x128xf32>
    %max3A = arith.constant 0.000000e+00 : f32
    %max3A_7 = vector.broadcast %max3A : f32 to vector<5000x128xf32>
    %max3A_8 = arith.maximumf %slice3A, %max3A_7 : vector<5000x128xf32>
    %convert_element_type3A_9 = arith.truncf %max3A_8 : vector<5000x128xf32> to vector<5000x128xbf16>
    %get3A_10 = arith.constant 0 : index
    %get3A_11 = arith.constant 0 : index
    %get3A_12 = vector.load %arg4[%get3A_10, %get3A_11] : memref<128x16xf32, #tpu.memory_space<vmem>>, vector<128x16xf32>
    %convert_element_type3A_13 = arith.truncf %get3A_12 : vector<128x16xf32> to vector<128x16xbf16>
    %dot_general3A_14 = arith.constant dense<0.000000e+00> : vector<5000x16xf32>
    %dot_general3A_15 = tpu.matmul %convert_element_type3A_9, %convert_element_type3A_13, %dot_general3A_14 {dimension_numbers = #tpu.dot_dimension_numbers<[1], [0], [0], [1], [0, 0, 1, 1], [], []>, transpose_lhs_hint = false} : vector<5000x128xbf16>, vector<128x16xbf16>, vector<5000x16xf32> -> vector<5000x16xf32>
    %slice3A_16 = vector.extract_strided_slice %dot_general3A_6 {offsets = [0, 128], sizes = [5000, 16], strides = [1, 1]} : vector<5000x144xf32> to vector<5000x16xf32>
    %transpose3A = tpu.transpose %dot_general3A_15, [1, 0] : vector<5000x16xf32> -> vector<16x5000xf32>
    %slice3A_17 = vector.extract_strided_slice %transpose3A {offsets = [0, 0], sizes = [10, 5000], strides = [1, 1]} : vector<16x5000xf32> to vector<10x5000xf32>
    %swap3A = arith.constant 0 : index
    %swap3A_18 = arith.constant 0 : index
    %swap3A_19 = arith.constant 0 : index
    %swap3A_20 = vector.load %arg5[%swap3A, %swap3A_18, %swap3A_19] : memref<1x10x5000xf32, #tpu.memory_space<vmem>>, vector<1x10x5000xf32>
    %swap3A_21 = vector.shape_cast %swap3A_20 : vector<1x10x5000xf32> to vector<10x5000xf32>
    %swap3A_22 = vector.shape_cast %slice3A_17 : vector<10x5000xf32> to vector<1x10x5000xf32>
    tpu.vector_store %arg5[%swap3A, %swap3A_18, %swap3A_19], %swap3A_22 {strides = array<i32>} : memref<1x10x5000xf32, #tpu.memory_space<vmem>>, vector<1x10x5000xf32>,
    %transpose3A_23 = tpu.transpose %slice3A_16, [1, 0] : vector<5000x16xf32> -> vector<16x5000xf32>
    %swap3A_24 = arith.constant 0 : index
    %swap3A_25 = arith.constant 0 : index
    %swap3A_26 = arith.constant 0 : index
    %swap3A_27 = vector.load %arg6[%swap3A_24, %swap3A_25, %swap3A_26] : memref<1x16x5000xf32, #tpu.memory_space<vmem>>, vector<1x16x5000xf32>
    %swap3A_28 = vector.shape_cast %swap3A_27 : vector<1x16x5000xf32> to vector<16x5000xf32>
    %swap3A_29 = vector.shape_cast %transpose3A_23 : vector<16x5000xf32> to vector<1x16x5000xf32>
    tpu.vector_store %arg6[%swap3A_24, %swap3A_25, %swap3A_26], %swap3A_29 {strides = array<i32>} : memref<1x16x5000xf32, #tpu.memory_space<vmem>>, vector<1x16x5000xf32>,
    %get3A_30 = arith.constant 0 : index
    %get3A_31 = arith.constant 0 : index
    %get3A_32 = arith.constant 0 : index
    %get3A_33 = vector.load %arg1[%get3A_30, %get3A_31, %get3A_32] : memref<1x1x5000xi32, #tpu.memory_space<vmem>>, vector<1x1x5000xi32>
    %get3A_34 = vector.shape_cast %get3A_33 : vector<1x1x5000xi32> to vector<1x5000xi32>
    %reduce_min3A = vector.shape_cast %get3A_34 : vector<1x5000xi32> to vector<1x1x5000xi32>
    %reduce_min3A_35 = arith.constant dense<2147483647> : vector<1xi32>
    %reduce_min3A_36 = vector.multi_reduction <minsi>, %reduce_min3A, %reduce_min3A_35 [1, 2] : vector<1x1x5000xi32> to vector<1xi32>
    %reduce_min3A_37 = vector.shape_cast %reduce_min3A_36 : vector<1xi32> to vector<1x1x1xi32>
    %reduce_min3A_38 = vector.extract %reduce_min3A_37[0, 0, 0] : i32 from vector<1x1x1xi32>
    %jit3A = arith.constant 8 : i32
    %div3A = arith.divsi %reduce_min3A_38, %jit3A : i32
    %sign3A = arith.constant 0 : i32
    %sign3A_39 = arith.cmpi sgt, %reduce_min3A_38, %sign3A : i32
    %sign3A_40 = arith.extui %sign3A_39 : i1 to i32
    %sign3A_41 = arith.constant 0 : i32
    %sign3A_42 = arith.cmpi slt, %reduce_min3A_38, %sign3A_41 : i32
    %sign3A_43 = arith.extui %sign3A_42 : i1 to i32
    %sign3A_44 = arith.subi %sign3A_40, %sign3A_43 : i32
    %sign3A_45 = arith.constant 0 : i32
    %sign3A_46 = arith.cmpi sgt, %jit3A, %sign3A_45 : i32
    %sign3A_47 = arith.extui %sign3A_46 : i1 to i32
    %sign3A_48 = arith.constant 0 : i32
    %sign3A_49 = arith.cmpi slt, %jit3A, %sign3A_48 : i32
    %sign3A_50 = arith.extui %sign3A_49 : i1 to i32
    %sign3A_51 = arith.subi %sign3A_47, %sign3A_50 : i32
    %ne3A = arith.cmpi ne, %sign3A_44, %sign3A_51 : i32
    %rem3A = arith.remsi %reduce_min3A_38, %jit3A : i32
    %ne3A_52 = arith.constant 0 : i32
    %ne3A_53 = arith.cmpi ne, %rem3A, %ne3A_52 : i32
    %and3A = arith.andi %ne3A, %ne3A_53 : i1
    %sub3A = arith.constant 1 : i32
    %sub3A_54 = arith.subi %div3A, %sub3A : i32
    %select_n3A = arith.select %and3A, %sub3A_54, %div3A : i32
    %mul3A = arith.constant 8 : i32
    %mul3A_55 = arith.muli %select_n3A, %mul3A : i32
    %multiple_of3A = tpu.assume_multiple %mul3A_55, 8 : i32
    %sub3A_56 = vector.broadcast %multiple_of3A : i32 to vector<1x5000xi32>
    %sub3A_57 = arith.subi %get3A_34, %sub3A_56 : vector<1x5000xi32>
    %reduce_max3A = vector.shape_cast %sub3A_57 : vector<1x5000xi32> to vector<1x1x5000xi32>
    %reduce_max3A_58 = arith.constant dense<-2147483648> : vector<1xi32>
    %reduce_max3A_59 = vector.multi_reduction <maxsi>, %reduce_max3A, %reduce_max3A_58 [1, 2] : vector<1x1x5000xi32> to vector<1xi32>
    %reduce_max3A_60 = vector.shape_cast %reduce_max3A_59 : vector<1xi32> to vector<1x1x1xi32>
    %reduce_max3A_61 = vector.extract %reduce_max3A_60[0, 0, 0] : i32 from vector<1x1x1xi32>
    %mul3A_62 = arith.mulf %dot_general3A_15, %slice3A_16 : vector<5000x16xf32>
    %concatenate3A = tpu.concatenate %mul3A_62, %dot_general3A_15 in 1 : vector<5000x16xf32>, vector<5000x16xf32> -> vector<5000x32xf32>
    %convert_element_type3A_63 = arith.truncf %concatenate3A : vector<5000x32xf32> to vector<5000x32xbf16>
    %iota3A = tpu.iota {dimensions = array<i32: 0>} : vector<64x1xi32>
    %eq3A = arith.constant 0 : i32
    %eq3A_64 = arith.cmpi eq, %arg0, %eq3A : i32
    %convert_element_type3A_65 = arith.extui %eq3A_64 : i1 to i32
    %cond3A = arith.constant 0 : i32
    %cond3A_66 = arith.cmpi ne, %convert_element_type3A_65, %cond3A : i32
    scf.if %cond3A_66 {
      %broadcast_in_dim3A = arith.constant 0.000000e+00 : f32
      %broadcast_in_dim3A_106 = vector.broadcast %broadcast_in_dim3A : f32 to vector<576x32xf32>
      %swap3A_107 = arith.constant 0 : index
      %swap3A_108 = arith.constant 0 : index
      %swap3A_109 = vector.load %arg7[%swap3A_107, %swap3A_108] : memref<576x32xf32, #tpu.memory_space<vmem>>, vector<576x32xf32>
      tpu.vector_store %arg7[%swap3A_107, %swap3A_108], %broadcast_in_dim3A_106 {strides = array<i32>} : memref<576x32xf32, #tpu.memory_space<vmem>>, vector<576x32xf32>,
    } else {
    }
    %ge3A = arith.constant 0 : i32
    %ge3A_67 = arith.cmpi sge, %reduce_max3A_61, %ge3A : i32
    %convert_element_type3A_68 = arith.extui %ge3A_67 : i1 to i32
    %cond3A_69 = arith.constant 0 : i32
    %cond3A_70 = arith.cmpi ne, %convert_element_type3A_68, %cond3A_69 : i32
    scf.if %cond3A_70 {
      %sub3A_106 = arith.constant 0 : i32
      %sub3A_107 = vector.broadcast %sub3A_106 : i32 to vector<1x5000xi32>
      %sub3A_108 = arith.subi %sub3A_57, %sub3A_107 : vector<1x5000xi32>
      %eq3A_109 = vector.broadcast %sub3A_108 : vector<1x5000xi32> to vector<64x5000xi32>
      %eq3A_110 = vector.broadcast %iota3A : vector<64x1xi32> to vector<64x5000xi32>
      %eq3A_111 = arith.cmpi eq, %eq3A_109, %eq3A_110 : vector<64x5000xi32>
      %convert_element_type3A_112 = arith.extui %eq3A_111 : vector<64x5000xi1> to vector<64x5000xi32>
      %convert_element_type3A_113 = arith.sitofp %convert_element_type3A_112 : vector<64x5000xi32> to vector<64x5000xf32>
      %convert_element_type3A_114 = arith.truncf %convert_element_type3A_113 : vector<64x5000xf32> to vector<64x5000xbf16>
      %dot_general3A_115 = arith.constant dense<0.000000e+00> : vector<64x32xf32>
      %dot_general3A_116 = tpu.matmul %convert_element_type3A_114, %convert_element_type3A_63, %dot_general3A_115 {dimension_numbers = #tpu.dot_dimension_numbers<[1], [0], [0], [1], [0, 0, 1, 1], [], []>, transpose_lhs_hint = false} : vector<64x5000xbf16>, vector<5000x32xbf16>, vector<64x32xf32> -> vector<64x32xf32>
      %add3A = arith.constant 0 : i32
      %add3A_117 = arith.addi %multiple_of3A, %add3A : i32
      %get3A_118 = arith.index_cast %add3A_117 : i32 to index
      %get3A_119 = arith.constant 0 : index
      %get3A_120 = vector.load %arg7[%get3A_118, %get3A_119] : memref<576x32xf32, #tpu.memory_space<vmem>>, vector<64x32xf32>
      %add3A_121 = arith.addf %get3A_120, %dot_general3A_116 : vector<64x32xf32>
      %swap3A_122 = arith.index_cast %add3A_117 : i32 to index
      %swap3A_123 = arith.constant 0 : index
      %swap3A_124 = vector.load %arg7[%swap3A_122, %swap3A_123] : memref<576x32xf32, #tpu.memory_space<vmem>>, vector<64x32xf32>
      tpu.vector_store %arg7[%swap3A_122, %swap3A_123], %add3A_121 {strides = array<i32>} : memref<576x32xf32, #tpu.memory_space<vmem>>, vector<64x32xf32>,
    } else {
    }
    %ge3A_71 = arith.constant 64 : i32
    %ge3A_72 = arith.cmpi sge, %reduce_max3A_61, %ge3A_71 : i32
    %convert_element_type3A_73 = arith.extui %ge3A_72 : i1 to i32
    %cond3A_74 = arith.constant 0 : i32
    %cond3A_75 = arith.cmpi ne, %convert_element_type3A_73, %cond3A_74 : i32
    scf.if %cond3A_75 {
      %sub3A_106 = arith.constant 64 : i32
      %sub3A_107 = vector.broadcast %sub3A_106 : i32 to vector<1x5000xi32>
      %sub3A_108 = arith.subi %sub3A_57, %sub3A_107 : vector<1x5000xi32>
      %eq3A_109 = vector.broadcast %sub3A_108 : vector<1x5000xi32> to vector<64x5000xi32>
      %eq3A_110 = vector.broadcast %iota3A : vector<64x1xi32> to vector<64x5000xi32>
      %eq3A_111 = arith.cmpi eq, %eq3A_109, %eq3A_110 : vector<64x5000xi32>
      %convert_element_type3A_112 = arith.extui %eq3A_111 : vector<64x5000xi1> to vector<64x5000xi32>
      %convert_element_type3A_113 = arith.sitofp %convert_element_type3A_112 : vector<64x5000xi32> to vector<64x5000xf32>
      %convert_element_type3A_114 = arith.truncf %convert_element_type3A_113 : vector<64x5000xf32> to vector<64x5000xbf16>
      %dot_general3A_115 = arith.constant dense<0.000000e+00> : vector<64x32xf32>
      %dot_general3A_116 = tpu.matmul %convert_element_type3A_114, %convert_element_type3A_63, %dot_general3A_115 {dimension_numbers = #tpu.dot_dimension_numbers<[1], [0], [0], [1], [0, 0, 1, 1], [], []>, transpose_lhs_hint = false} : vector<64x5000xbf16>, vector<5000x32xbf16>, vector<64x32xf32> -> vector<64x32xf32>
      %add3A = arith.constant 64 : i32
      %add3A_117 = arith.addi %multiple_of3A, %add3A : i32
      %get3A_118 = arith.index_cast %add3A_117 : i32 to index
      %get3A_119 = arith.constant 0 : index
      %get3A_120 = vector.load %arg7[%get3A_118, %get3A_119] : memref<576x32xf32, #tpu.memory_space<vmem>>, vector<64x32xf32>
      %add3A_121 = arith.addf %get3A_120, %dot_general3A_116 : vector<64x32xf32>
      %swap3A_122 = arith.index_cast %add3A_117 : i32 to index
      %swap3A_123 = arith.constant 0 : index
      %swap3A_124 = vector.load %arg7[%swap3A_122, %swap3A_123] : memref<576x32xf32, #tpu.memory_space<vmem>>, vector<64x32xf32>
      tpu.vector_store %arg7[%swap3A_122, %swap3A_123], %add3A_121 {strides = array<i32>} : memref<576x32xf32, #tpu.memory_space<vmem>>, vector<64x32xf32>,
    } else {
    }
    %ge3A_76 = arith.constant 128 : i32
    %ge3A_77 = arith.cmpi sge, %reduce_max3A_61, %ge3A_76 : i32
    %convert_element_type3A_78 = arith.extui %ge3A_77 : i1 to i32
    %cond3A_79 = arith.constant 0 : i32
    %cond3A_80 = arith.cmpi ne, %convert_element_type3A_78, %cond3A_79 : i32
    scf.if %cond3A_80 {
      %sub3A_106 = arith.constant 128 : i32
      %sub3A_107 = vector.broadcast %sub3A_106 : i32 to vector<1x5000xi32>
      %sub3A_108 = arith.subi %sub3A_57, %sub3A_107 : vector<1x5000xi32>
      %eq3A_109 = vector.broadcast %sub3A_108 : vector<1x5000xi32> to vector<64x5000xi32>
      %eq3A_110 = vector.broadcast %iota3A : vector<64x1xi32> to vector<64x5000xi32>
      %eq3A_111 = arith.cmpi eq, %eq3A_109, %eq3A_110 : vector<64x5000xi32>
      %convert_element_type3A_112 = arith.extui %eq3A_111 : vector<64x5000xi1> to vector<64x5000xi32>
      %convert_element_type3A_113 = arith.sitofp %convert_element_type3A_112 : vector<64x5000xi32> to vector<64x5000xf32>
      %convert_element_type3A_114 = arith.truncf %convert_element_type3A_113 : vector<64x5000xf32> to vector<64x5000xbf16>
      %dot_general3A_115 = arith.constant dense<0.000000e+00> : vector<64x32xf32>
      %dot_general3A_116 = tpu.matmul %convert_element_type3A_114, %convert_element_type3A_63, %dot_general3A_115 {dimension_numbers = #tpu.dot_dimension_numbers<[1], [0], [0], [1], [0, 0, 1, 1], [], []>, transpose_lhs_hint = false} : vector<64x5000xbf16>, vector<5000x32xbf16>, vector<64x32xf32> -> vector<64x32xf32>
      %add3A = arith.constant 128 : i32
      %add3A_117 = arith.addi %multiple_of3A, %add3A : i32
      %get3A_118 = arith.index_cast %add3A_117 : i32 to index
      %get3A_119 = arith.constant 0 : index
      %get3A_120 = vector.load %arg7[%get3A_118, %get3A_119] : memref<576x32xf32, #tpu.memory_space<vmem>>, vector<64x32xf32>
      %add3A_121 = arith.addf %get3A_120, %dot_general3A_116 : vector<64x32xf32>
      %swap3A_122 = arith.index_cast %add3A_117 : i32 to index
      %swap3A_123 = arith.constant 0 : index
      %swap3A_124 = vector.load %arg7[%swap3A_122, %swap3A_123] : memref<576x32xf32, #tpu.memory_space<vmem>>, vector<64x32xf32>
      tpu.vector_store %arg7[%swap3A_122, %swap3A_123], %add3A_121 {strides = array<i32>} : memref<576x32xf32, #tpu.memory_space<vmem>>, vector<64x32xf32>,
    } else {
    }
    %ge3A_81 = arith.constant 192 : i32
    %ge3A_82 = arith.cmpi sge, %reduce_max3A_61, %ge3A_81 : i32
    %convert_element_type3A_83 = arith.extui %ge3A_82 : i1 to i32
    %cond3A_84 = arith.constant 0 : i32
    %cond3A_85 = arith.cmpi ne, %convert_element_type3A_83, %cond3A_84 : i32
    scf.if %cond3A_85 {
      %sub3A_106 = arith.constant 192 : i32
      %sub3A_107 = vector.broadcast %sub3A_106 : i32 to vector<1x5000xi32>
      %sub3A_108 = arith.subi %sub3A_57, %sub3A_107 : vector<1x5000xi32>
      %eq3A_109 = vector.broadcast %sub3A_108 : vector<1x5000xi32> to vector<64x5000xi32>
      %eq3A_110 = vector.broadcast %iota3A : vector<64x1xi32> to vector<64x5000xi32>
      %eq3A_111 = arith.cmpi eq, %eq3A_109, %eq3A_110 : vector<64x5000xi32>
      %convert_element_type3A_112 = arith.extui %eq3A_111 : vector<64x5000xi1> to vector<64x5000xi32>
      %convert_element_type3A_113 = arith.sitofp %convert_element_type3A_112 : vector<64x5000xi32> to vector<64x5000xf32>
      %convert_element_type3A_114 = arith.truncf %convert_element_type3A_113 : vector<64x5000xf32> to vector<64x5000xbf16>
      %dot_general3A_115 = arith.constant dense<0.000000e+00> : vector<64x32xf32>
      %dot_general3A_116 = tpu.matmul %convert_element_type3A_114, %convert_element_type3A_63, %dot_general3A_115 {dimension_numbers = #tpu.dot_dimension_numbers<[1], [0], [0], [1], [0, 0, 1, 1], [], []>, transpose_lhs_hint = false} : vector<64x5000xbf16>, vector<5000x32xbf16>, vector<64x32xf32> -> vector<64x32xf32>
      %add3A = arith.constant 192 : i32
      %add3A_117 = arith.addi %multiple_of3A, %add3A : i32
      %get3A_118 = arith.index_cast %add3A_117 : i32 to index
      %get3A_119 = arith.constant 0 : index
      %get3A_120 = vector.load %arg7[%get3A_118, %get3A_119] : memref<576x32xf32, #tpu.memory_space<vmem>>, vector<64x32xf32>
      %add3A_121 = arith.addf %get3A_120, %dot_general3A_116 : vector<64x32xf32>
      %swap3A_122 = arith.index_cast %add3A_117 : i32 to index
      %swap3A_123 = arith.constant 0 : index
      %swap3A_124 = vector.load %arg7[%swap3A_122, %swap3A_123] : memref<576x32xf32, #tpu.memory_space<vmem>>, vector<64x32xf32>
      tpu.vector_store %arg7[%swap3A_122, %swap3A_123], %add3A_121 {strides = array<i32>} : memref<576x32xf32, #tpu.memory_space<vmem>>, vector<64x32xf32>,
    } else {
    }
    %ge3A_86 = arith.constant 256 : i32
    %ge3A_87 = arith.cmpi sge, %reduce_max3A_61, %ge3A_86 : i32
    %convert_element_type3A_88 = arith.extui %ge3A_87 : i1 to i32
    %cond3A_89 = arith.constant 0 : i32
    %cond3A_90 = arith.cmpi ne, %convert_element_type3A_88, %cond3A_89 : i32
    scf.if %cond3A_90 {
      %sub3A_106 = arith.constant 256 : i32
      %sub3A_107 = vector.broadcast %sub3A_106 : i32 to vector<1x5000xi32>
      %sub3A_108 = arith.subi %sub3A_57, %sub3A_107 : vector<1x5000xi32>
      %eq3A_109 = vector.broadcast %sub3A_108 : vector<1x5000xi32> to vector<64x5000xi32>
      %eq3A_110 = vector.broadcast %iota3A : vector<64x1xi32> to vector<64x5000xi32>
      %eq3A_111 = arith.cmpi eq, %eq3A_109, %eq3A_110 : vector<64x5000xi32>
      %convert_element_type3A_112 = arith.extui %eq3A_111 : vector<64x5000xi1> to vector<64x5000xi32>
      %convert_element_type3A_113 = arith.sitofp %convert_element_type3A_112 : vector<64x5000xi32> to vector<64x5000xf32>
      %convert_element_type3A_114 = arith.truncf %convert_element_type3A_113 : vector<64x5000xf32> to vector<64x5000xbf16>
      %dot_general3A_115 = arith.constant dense<0.000000e+00> : vector<64x32xf32>
      %dot_general3A_116 = tpu.matmul %convert_element_type3A_114, %convert_element_type3A_63, %dot_general3A_115 {dimension_numbers = #tpu.dot_dimension_numbers<[1], [0], [0], [1], [0, 0, 1, 1], [], []>, transpose_lhs_hint = false} : vector<64x5000xbf16>, vector<5000x32xbf16>, vector<64x32xf32> -> vector<64x32xf32>
      %add3A = arith.constant 256 : i32
      %add3A_117 = arith.addi %multiple_of3A, %add3A : i32
      %get3A_118 = arith.index_cast %add3A_117 : i32 to index
      %get3A_119 = arith.constant 0 : index
      %get3A_120 = vector.load %arg7[%get3A_118, %get3A_119] : memref<576x32xf32, #tpu.memory_space<vmem>>, vector<64x32xf32>
      %add3A_121 = arith.addf %get3A_120, %dot_general3A_116 : vector<64x32xf32>
      %swap3A_122 = arith.index_cast %add3A_117 : i32 to index
      %swap3A_123 = arith.constant 0 : index
      %swap3A_124 = vector.load %arg7[%swap3A_122, %swap3A_123] : memref<576x32xf32, #tpu.memory_space<vmem>>, vector<64x32xf32>
      tpu.vector_store %arg7[%swap3A_122, %swap3A_123], %add3A_121 {strides = array<i32>} : memref<576x32xf32, #tpu.memory_space<vmem>>, vector<64x32xf32>,
    } else {
    }
    %ge3A_91 = arith.constant 320 : i32
    %ge3A_92 = arith.cmpi sge, %reduce_max3A_61, %ge3A_91 : i32
    %convert_element_type3A_93 = arith.extui %ge3A_92 : i1 to i32
    %cond3A_94 = arith.constant 0 : i32
    %cond3A_95 = arith.cmpi ne, %convert_element_type3A_93, %cond3A_94 : i32
    scf.if %cond3A_95 {
      %sub3A_106 = arith.constant 320 : i32
      %sub3A_107 = vector.broadcast %sub3A_106 : i32 to vector<1x5000xi32>
      %sub3A_108 = arith.subi %sub3A_57, %sub3A_107 : vector<1x5000xi32>
      %eq3A_109 = vector.broadcast %sub3A_108 : vector<1x5000xi32> to vector<64x5000xi32>
      %eq3A_110 = vector.broadcast %iota3A : vector<64x1xi32> to vector<64x5000xi32>
      %eq3A_111 = arith.cmpi eq, %eq3A_109, %eq3A_110 : vector<64x5000xi32>
      %convert_element_type3A_112 = arith.extui %eq3A_111 : vector<64x5000xi1> to vector<64x5000xi32>
      %convert_element_type3A_113 = arith.sitofp %convert_element_type3A_112 : vector<64x5000xi32> to vector<64x5000xf32>
      %convert_element_type3A_114 = arith.truncf %convert_element_type3A_113 : vector<64x5000xf32> to vector<64x5000xbf16>
      %dot_general3A_115 = arith.constant dense<0.000000e+00> : vector<64x32xf32>
      %dot_general3A_116 = tpu.matmul %convert_element_type3A_114, %convert_element_type3A_63, %dot_general3A_115 {dimension_numbers = #tpu.dot_dimension_numbers<[1], [0], [0], [1], [0, 0, 1, 1], [], []>, transpose_lhs_hint = false} : vector<64x5000xbf16>, vector<5000x32xbf16>, vector<64x32xf32> -> vector<64x32xf32>
      %add3A = arith.constant 320 : i32
      %add3A_117 = arith.addi %multiple_of3A, %add3A : i32
      %get3A_118 = arith.index_cast %add3A_117 : i32 to index
      %get3A_119 = arith.constant 0 : index
      %get3A_120 = vector.load %arg7[%get3A_118, %get3A_119] : memref<576x32xf32, #tpu.memory_space<vmem>>, vector<64x32xf32>
      %add3A_121 = arith.addf %get3A_120, %dot_general3A_116 : vector<64x32xf32>
      %swap3A_122 = arith.index_cast %add3A_117 : i32 to index
      %swap3A_123 = arith.constant 0 : index
      %swap3A_124 = vector.load %arg7[%swap3A_122, %swap3A_123] : memref<576x32xf32, #tpu.memory_space<vmem>>, vector<64x32xf32>
      tpu.vector_store %arg7[%swap3A_122, %swap3A_123], %add3A_121 {strides = array<i32>} : memref<576x32xf32, #tpu.memory_space<vmem>>, vector<64x32xf32>,
    } else {
    }
    %ge3A_96 = arith.constant 384 : i32
    %ge3A_97 = arith.cmpi sge, %reduce_max3A_61, %ge3A_96 : i32
    %convert_element_type3A_98 = arith.extui %ge3A_97 : i1 to i32
    %cond3A_99 = arith.constant 0 : i32
    %cond3A_100 = arith.cmpi ne, %convert_element_type3A_98, %cond3A_99 : i32
    scf.if %cond3A_100 {
      %sub3A_106 = arith.constant 384 : i32
      %sub3A_107 = vector.broadcast %sub3A_106 : i32 to vector<1x5000xi32>
      %sub3A_108 = arith.subi %sub3A_57, %sub3A_107 : vector<1x5000xi32>
      %eq3A_109 = vector.broadcast %sub3A_108 : vector<1x5000xi32> to vector<64x5000xi32>
      %eq3A_110 = vector.broadcast %iota3A : vector<64x1xi32> to vector<64x5000xi32>
      %eq3A_111 = arith.cmpi eq, %eq3A_109, %eq3A_110 : vector<64x5000xi32>
      %convert_element_type3A_112 = arith.extui %eq3A_111 : vector<64x5000xi1> to vector<64x5000xi32>
      %convert_element_type3A_113 = arith.sitofp %convert_element_type3A_112 : vector<64x5000xi32> to vector<64x5000xf32>
      %convert_element_type3A_114 = arith.truncf %convert_element_type3A_113 : vector<64x5000xf32> to vector<64x5000xbf16>
      %dot_general3A_115 = arith.constant dense<0.000000e+00> : vector<64x32xf32>
      %dot_general3A_116 = tpu.matmul %convert_element_type3A_114, %convert_element_type3A_63, %dot_general3A_115 {dimension_numbers = #tpu.dot_dimension_numbers<[1], [0], [0], [1], [0, 0, 1, 1], [], []>, transpose_lhs_hint = false} : vector<64x5000xbf16>, vector<5000x32xbf16>, vector<64x32xf32> -> vector<64x32xf32>
      %add3A = arith.constant 384 : i32
      %add3A_117 = arith.addi %multiple_of3A, %add3A : i32
      %get3A_118 = arith.index_cast %add3A_117 : i32 to index
      %get3A_119 = arith.constant 0 : index
      %get3A_120 = vector.load %arg7[%get3A_118, %get3A_119] : memref<576x32xf32, #tpu.memory_space<vmem>>, vector<64x32xf32>
      %add3A_121 = arith.addf %get3A_120, %dot_general3A_116 : vector<64x32xf32>
      %swap3A_122 = arith.index_cast %add3A_117 : i32 to index
      %swap3A_123 = arith.constant 0 : index
      %swap3A_124 = vector.load %arg7[%swap3A_122, %swap3A_123] : memref<576x32xf32, #tpu.memory_space<vmem>>, vector<64x32xf32>
      tpu.vector_store %arg7[%swap3A_122, %swap3A_123], %add3A_121 {strides = array<i32>} : memref<576x32xf32, #tpu.memory_space<vmem>>, vector<64x32xf32>,
    } else {
    }
    %ge3A_101 = arith.constant 448 : i32
    %ge3A_102 = arith.cmpi sge, %reduce_max3A_61, %ge3A_101 : i32
    %convert_element_type3A_103 = arith.extui %ge3A_102 : i1 to i32
    %cond3A_104 = arith.constant 0 : i32
    %cond3A_105 = arith.cmpi ne, %convert_element_type3A_103, %cond3A_104 : i32
    scf.if %cond3A_105 {
      %sub3A_106 = arith.constant 448 : i32
      %sub3A_107 = vector.broadcast %sub3A_106 : i32 to vector<1x5000xi32>
      %sub3A_108 = arith.subi %sub3A_57, %sub3A_107 : vector<1x5000xi32>
      %eq3A_109 = vector.broadcast %sub3A_108 : vector<1x5000xi32> to vector<64x5000xi32>
      %eq3A_110 = vector.broadcast %iota3A : vector<64x1xi32> to vector<64x5000xi32>
      %eq3A_111 = arith.cmpi eq, %eq3A_109, %eq3A_110 : vector<64x5000xi32>
      %convert_element_type3A_112 = arith.extui %eq3A_111 : vector<64x5000xi1> to vector<64x5000xi32>
      %convert_element_type3A_113 = arith.sitofp %convert_element_type3A_112 : vector<64x5000xi32> to vector<64x5000xf32>
      %convert_element_type3A_114 = arith.truncf %convert_element_type3A_113 : vector<64x5000xf32> to vector<64x5000xbf16>
      %dot_general3A_115 = arith.constant dense<0.000000e+00> : vector<64x32xf32>
      %dot_general3A_116 = tpu.matmul %convert_element_type3A_114, %convert_element_type3A_63, %dot_general3A_115 {dimension_numbers = #tpu.dot_dimension_numbers<[1], [0], [0], [1], [0, 0, 1, 1], [], []>, transpose_lhs_hint = false} : vector<64x5000xbf16>, vector<5000x32xbf16>, vector<64x32xf32> -> vector<64x32xf32>
      %add3A = arith.constant 448 : i32
      %add3A_117 = arith.addi %multiple_of3A, %add3A : i32
      %get3A_118 = arith.index_cast %add3A_117 : i32 to index
      %get3A_119 = arith.constant 0 : index
      %get3A_120 = vector.load %arg7[%get3A_118, %get3A_119] : memref<576x32xf32, #tpu.memory_space<vmem>>, vector<64x32xf32>
      %add3A_121 = arith.addf %get3A_120, %dot_general3A_116 : vector<64x32xf32>
      %swap3A_122 = arith.index_cast %add3A_117 : i32 to index
      %swap3A_123 = arith.constant 0 : index
      %swap3A_124 = vector.load %arg7[%swap3A_122, %swap3A_123] : memref<576x32xf32, #tpu.memory_space<vmem>>, vector<64x32xf32>
      tpu.vector_store %arg7[%swap3A_122, %swap3A_123], %add3A_121 {strides = array<i32>} : memref<576x32xf32, #tpu.memory_space<vmem>>, vector<64x32xf32>,
    } else {
    }
    return
  }
  func.func @transform_0(%arg0: i32) -> (i32, i32, i32) {
    %c0_i32 = arith.constant 0 : i32
    %c0_i32_0 = arith.constant 0 : i32
    %c0_i32_1 = arith.constant 0 : i32
    return %arg0, %c0_i32, %c0_i32_0 : i32, i32, i32
  }
  func.func @transform_1(%arg0: i32) -> (i32, i32) {
    %c0_i32 = arith.constant 0 : i32
    %c0_i32_0 = arith.constant 0 : i32
    return %arg0, %c0_i32 : i32, i32
  }
  func.func @transform_2(%arg0: i32) -> (i32, i32) {
    %c0_i32 = arith.constant 0 : i32
    %c0_i32_0 = arith.constant 0 : i32
    %c0_i32_1 = arith.constant 0 : i32
    return %c0_i32, %c0_i32_0 : i32, i32
  }
  func.func @transform_3(%arg0: i32) -> (i32, i32) {
    %c0_i32 = arith.constant 0 : i32
    %c0_i32_0 = arith.constant 0 : i32
    %c0_i32_1 = arith.constant 0 : i32
    return %c0_i32, %c0_i32_0 : i32, i32
  }
  func.func @transform_4(%arg0: i32) -> (i32, i32, i32) {
    %c0_i32 = arith.constant 0 : i32
    %c0_i32_0 = arith.constant 0 : i32
    %c0_i32_1 = arith.constant 0 : i32
    return %arg0, %c0_i32, %c0_i32_0 : i32, i32, i32
  }
  func.func @transform_5(%arg0: i32) -> (i32, i32, i32) {
    %c0_i32 = arith.constant 0 : i32
    %c0_i32_0 = arith.constant 0 : i32
    %c0_i32_1 = arith.constant 0 : i32
    return %arg0, %c0_i32, %c0_i32_0 : i32, i32, i32
  }
  func.func @transform_6(%arg0: i32) -> (i32, i32) {
    %c0_i32 = arith.constant 0 : i32
    %c0_i32_0 = arith.constant 0 : i32
    %c0_i32_1 = arith.constant 0 : i32
    return %c0_i32, %c0_i32_0 : i32, i32
  }
}

module attributes {stable_mosaic.version = 14 : i64} {
  func.func @_theta_body(%arg0: i32, %arg1: memref<1x1x5000xi32, #tpu.memory_space<vmem>>, %arg2: memref<1x16x5000xf32, #tpu.memory_space<vmem>>, %arg3: memref<2x512x128xf32, #tpu.memory_space<vmem>>, %arg4: memref<576x32xf32, #tpu.memory_space<vmem>>, %arg5: memref<128x16xf32, #tpu.memory_space<vmem>>, %arg6: memref<1x10x5000xf32, #tpu.memory_space<vmem>>, %arg7: memref<10x512xf32, #tpu.memory_space<vmem>>, %arg8: memref<576x16xf32, #tpu.memory_space<vmem>>) attributes {dimension_semantics = [#tpu.dimension_semantics<arbitrary>], iteration_bounds = array<i64: 20>, scalar_prefetch = 0 : i64, scratch_operands = 1 : i64, tpu.core_type = #tpu.core_type<tc>, window_params = [{transform_indices = @transform_0, window_bounds = array<i64: 1, 1, 5000>}, {transform_indices = @transform_1, window_bounds = array<i64: 1, 16, 5000>}, {pipeline_mode = #tpu.pipeline_mode<synchronous>, transform_indices = @transform_2, window_bounds = array<i64: 2, 512, 128>}, {pipeline_mode = #tpu.pipeline_mode<synchronous>, transform_indices = @transform_3, window_bounds = array<i64: 576, 32>}, {pipeline_mode = #tpu.pipeline_mode<synchronous>, transform_indices = @transform_4, window_bounds = array<i64: 128, 16>}, {transform_indices = @transform_5, window_bounds = array<i64: 1, 10, 5000>}, {pipeline_mode = #tpu.pipeline_mode<synchronous>, transform_indices = @transform_6, window_bounds = array<i64: 10, 512>}]} {
    %eq3A = arith.constant 0 : i32
    %eq3A_0 = arith.cmpi eq, %arg0, %eq3A : i32
    %convert_element_type3A = arith.extui %eq3A_0 : i1 to i32
    %cond3A = arith.constant 0 : i32
    %cond3A_1 = arith.cmpi ne, %convert_element_type3A, %cond3A : i32
    scf.if %cond3A_1 {
      %get3A_89 = arith.constant 0 : index
      %get3A_90 = arith.constant 0 : index
      %get3A_91 = arith.constant 0 : index
      %get3A_92 = vector.load %arg3[%get3A_89, %get3A_90, %get3A_91] : memref<2x512x128xf32, #tpu.memory_space<vmem>>, vector<1x512x128xf32>
      %get3A_93 = vector.shape_cast %get3A_92 : vector<1x512x128xf32> to vector<512x128xf32>
      %get3A_94 = arith.constant 1 : index
      %get3A_95 = arith.constant 0 : index
      %get3A_96 = arith.constant 0 : index
      %get3A_97 = vector.load %arg3[%get3A_94, %get3A_95, %get3A_96] : memref<2x512x128xf32, #tpu.memory_space<vmem>>, vector<1x512x128xf32>
      %get3A_98 = vector.shape_cast %get3A_97 : vector<1x512x128xf32> to vector<512x128xf32>
      %add3A_99 = arith.addf %get3A_93, %get3A_98 : vector<512x128xf32>
      %get3A_100 = arith.constant 0 : index
      %get3A_101 = arith.constant 0 : index
      %get3A_102 = vector.load %arg5[%get3A_100, %get3A_101] : memref<128x16xf32, #tpu.memory_space<vmem>>, vector<128x16xf32>
      %dot_general3A_103 = arith.constant dense<0.000000e+00> : vector<512x16xf32>
      %dot_general3A_104 = tpu.matmul %add3A_99, %get3A_102, %dot_general3A_103 {dimension_numbers = #tpu.dot_dimension_numbers<[1], [0], [0], [1], [0, 0, 1, 1], [], []>, transpose_lhs_hint = false} : vector<512x128xf32>, vector<128x16xf32>, vector<512x16xf32> -> vector<512x16xf32>
      %swap3A_105 = arith.constant 0 : index
      %swap3A_106 = arith.constant 0 : index
      %swap3A_107 = vector.load %arg8[%swap3A_105, %swap3A_106] : memref<576x16xf32, #tpu.memory_space<vmem>>, vector<512x16xf32>
      tpu.vector_store %arg8[%swap3A_105, %swap3A_106], %dot_general3A_104 {strides = array<i32>} : memref<576x16xf32, #tpu.memory_space<vmem>>, vector<512x16xf32>,
      %broadcast_in_dim3A = arith.constant 0.000000e+00 : f32
      %broadcast_in_dim3A_108 = vector.broadcast %broadcast_in_dim3A : f32 to vector<64x16xf32>
      %swap3A_109 = arith.constant 512 : index
      %swap3A_110 = arith.constant 0 : index
      %swap3A_111 = vector.load %arg8[%swap3A_109, %swap3A_110] : memref<576x16xf32, #tpu.memory_space<vmem>>, vector<64x16xf32>
      tpu.vector_store %arg8[%swap3A_109, %swap3A_110], %broadcast_in_dim3A_108 {strides = array<i32>} : memref<576x16xf32, #tpu.memory_space<vmem>>, vector<64x16xf32>,
      %get3A_112 = arith.constant 0 : index
      %get3A_113 = arith.constant 0 : index
      %get3A_114 = vector.load %arg4[%get3A_112, %get3A_113] : memref<576x32xf32, #tpu.memory_space<vmem>>, vector<512x16xf32>
      %get3A_115 = arith.constant 0 : index
      %get3A_116 = arith.constant 16 : index
      %get3A_117 = vector.load %arg4[%get3A_115, %get3A_116] : memref<576x32xf32, #tpu.memory_space<vmem>>, vector<512x16xf32>
      %mul3A_118 = arith.mulf %dot_general3A_104, %get3A_117 : vector<512x16xf32>
      %add3A_119 = arith.addf %get3A_114, %mul3A_118 : vector<512x16xf32>
      %transpose3A_120 = tpu.transpose %add3A_119, [1, 0] : vector<512x16xf32> -> vector<16x512xf32>
      %slice3A_121 = vector.extract_strided_slice %transpose3A_120 {offsets = [0, 0], sizes = [10, 512], strides = [1, 1]} : vector<16x512xf32> to vector<10x512xf32>
      %swap3A_122 = arith.constant 0 : index
      %swap3A_123 = arith.constant 0 : index
      %swap3A_124 = vector.load %arg7[%swap3A_122, %swap3A_123] : memref<10x512xf32, #tpu.memory_space<vmem>>, vector<10x512xf32>
      tpu.vector_store %arg7[%swap3A_122, %swap3A_123], %slice3A_121 {strides = array<i32>} : memref<10x512xf32, #tpu.memory_space<vmem>>, vector<10x512xf32>,
    } else {
    }
    %get3A = arith.constant 0 : index
    %get3A_2 = arith.constant 0 : index
    %get3A_3 = arith.constant 0 : index
    %get3A_4 = vector.load %arg1[%get3A, %get3A_2, %get3A_3] : memref<1x1x5000xi32, #tpu.memory_space<vmem>>, vector<1x1x5000xi32>
    %get3A_5 = vector.shape_cast %get3A_4 : vector<1x1x5000xi32> to vector<1x5000xi32>
    %reduce_min3A = vector.shape_cast %get3A_5 : vector<1x5000xi32> to vector<1x1x5000xi32>
    %reduce_min3A_6 = arith.constant dense<2147483647> : vector<1xi32>
    %reduce_min3A_7 = vector.multi_reduction <minsi>, %reduce_min3A, %reduce_min3A_6 [1, 2] : vector<1x1x5000xi32> to vector<1xi32>
    %reduce_min3A_8 = vector.shape_cast %reduce_min3A_7 : vector<1xi32> to vector<1x1x1xi32>
    %reduce_min3A_9 = vector.extract %reduce_min3A_8[0, 0, 0] : i32 from vector<1x1x1xi32>
    %jit3A = arith.constant 8 : i32
    %div3A = arith.divsi %reduce_min3A_9, %jit3A : i32
    %sign3A = arith.constant 0 : i32
    %sign3A_10 = arith.cmpi sgt, %reduce_min3A_9, %sign3A : i32
    %sign3A_11 = arith.extui %sign3A_10 : i1 to i32
    %sign3A_12 = arith.constant 0 : i32
    %sign3A_13 = arith.cmpi slt, %reduce_min3A_9, %sign3A_12 : i32
    %sign3A_14 = arith.extui %sign3A_13 : i1 to i32
    %sign3A_15 = arith.subi %sign3A_11, %sign3A_14 : i32
    %sign3A_16 = arith.constant 0 : i32
    %sign3A_17 = arith.cmpi sgt, %jit3A, %sign3A_16 : i32
    %sign3A_18 = arith.extui %sign3A_17 : i1 to i32
    %sign3A_19 = arith.constant 0 : i32
    %sign3A_20 = arith.cmpi slt, %jit3A, %sign3A_19 : i32
    %sign3A_21 = arith.extui %sign3A_20 : i1 to i32
    %sign3A_22 = arith.subi %sign3A_18, %sign3A_21 : i32
    %ne3A = arith.cmpi ne, %sign3A_15, %sign3A_22 : i32
    %rem3A = arith.remsi %reduce_min3A_9, %jit3A : i32
    %ne3A_23 = arith.constant 0 : i32
    %ne3A_24 = arith.cmpi ne, %rem3A, %ne3A_23 : i32
    %and3A = arith.andi %ne3A, %ne3A_24 : i1
    %sub3A = arith.constant 1 : i32
    %sub3A_25 = arith.subi %div3A, %sub3A : i32
    %select_n3A = arith.select %and3A, %sub3A_25, %div3A : i32
    %mul3A = arith.constant 8 : i32
    %mul3A_26 = arith.muli %select_n3A, %mul3A : i32
    %multiple_of3A = tpu.assume_multiple %mul3A_26, 8 : i32
    %sub3A_27 = vector.broadcast %multiple_of3A : i32 to vector<1x5000xi32>
    %sub3A_28 = arith.subi %get3A_5, %sub3A_27 : vector<1x5000xi32>
    %reduce_max3A = vector.shape_cast %sub3A_28 : vector<1x5000xi32> to vector<1x1x5000xi32>
    %reduce_max3A_29 = arith.constant dense<-2147483648> : vector<1xi32>
    %reduce_max3A_30 = vector.multi_reduction <maxsi>, %reduce_max3A, %reduce_max3A_29 [1, 2] : vector<1x1x5000xi32> to vector<1xi32>
    %reduce_max3A_31 = vector.shape_cast %reduce_max3A_30 : vector<1xi32> to vector<1x1x1xi32>
    %reduce_max3A_32 = vector.extract %reduce_max3A_31[0, 0, 0] : i32 from vector<1x1x1xi32>
    %iota3A = tpu.iota {dimensions = array<i32: 0>} : vector<64x1xi32>
    %get3A_33 = arith.index_cast %multiple_of3A : i32 to index
    %get3A_34 = arith.constant 0 : index
    %get3A_35 = vector.load %arg8[%get3A_33, %get3A_34] : memref<576x16xf32, #tpu.memory_space<vmem>>, vector<64x16xf32>
    %transpose3A = tpu.transpose %get3A_35, [1, 0] : vector<64x16xf32> -> vector<16x64xf32>
    %convert_element_type3A_36 = arith.truncf %transpose3A : vector<16x64xf32> to vector<16x64xbf16>
    %eq3A_37 = vector.broadcast %sub3A_28 : vector<1x5000xi32> to vector<64x5000xi32>
    %eq3A_38 = vector.broadcast %iota3A : vector<64x1xi32> to vector<64x5000xi32>
    %eq3A_39 = arith.cmpi eq, %eq3A_37, %eq3A_38 : vector<64x5000xi32>
    %convert_element_type3A_40 = arith.extui %eq3A_39 : vector<64x5000xi1> to vector<64x5000xi32>
    %convert_element_type3A_41 = arith.sitofp %convert_element_type3A_40 : vector<64x5000xi32> to vector<64x5000xf32>
    %convert_element_type3A_42 = arith.truncf %convert_element_type3A_41 : vector<64x5000xf32> to vector<64x5000xbf16>
    %dot_general3A = arith.constant dense<0.000000e+00> : vector<16x5000xf32>
    %dot_general3A_43 = tpu.matmul %convert_element_type3A_36, %convert_element_type3A_42, %dot_general3A {dimension_numbers = #tpu.dot_dimension_numbers<[1], [0], [0], [1], [0, 0, 1, 1], [], []>, transpose_lhs_hint = false} : vector<16x64xbf16>, vector<64x5000xbf16>, vector<16x5000xf32> -> vector<16x5000xf32>
    %get3A_44 = arith.constant 0 : index
    %get3A_45 = arith.constant 0 : index
    %get3A_46 = arith.constant 0 : index
    %get3A_47 = vector.load %arg2[%get3A_44, %get3A_45, %get3A_46] : memref<1x16x5000xf32, #tpu.memory_space<vmem>>, vector<1x16x5000xf32>
    %get3A_48 = vector.shape_cast %get3A_47 : vector<1x16x5000xf32> to vector<16x5000xf32>
    %slice3A = vector.extract_strided_slice %get3A_48 {offsets = [0, 0], sizes = [10, 5000], strides = [1, 1]} : vector<16x5000xf32> to vector<10x5000xf32>
    %slice3A_49 = vector.extract_strided_slice %dot_general3A_43 {offsets = [0, 0], sizes = [10, 5000], strides = [1, 1]} : vector<16x5000xf32> to vector<10x5000xf32>
    %add3A = arith.addf %slice3A, %slice3A_49 : vector<10x5000xf32>
    %swap3A = arith.constant 0 : index
    %swap3A_50 = arith.constant 0 : index
    %swap3A_51 = arith.constant 0 : index
    %swap3A_52 = vector.load %arg6[%swap3A, %swap3A_50, %swap3A_51] : memref<1x10x5000xf32, #tpu.memory_space<vmem>>, vector<1x10x5000xf32>
    %swap3A_53 = vector.shape_cast %swap3A_52 : vector<1x10x5000xf32> to vector<10x5000xf32>
    %swap3A_54 = vector.shape_cast %add3A : vector<10x5000xf32> to vector<1x10x5000xf32>
    tpu.vector_store %arg6[%swap3A, %swap3A_50, %swap3A_51], %swap3A_54 {strides = array<i32>} : memref<1x10x5000xf32, #tpu.memory_space<vmem>>, vector<1x10x5000xf32>,
    %ge3A = arith.constant 64 : i32
    %ge3A_55 = arith.cmpi sge, %reduce_max3A_32, %ge3A : i32
    %convert_element_type3A_56 = arith.extui %ge3A_55 : i1 to i32
    %cond3A_57 = arith.constant 0 : i32
    %cond3A_58 = arith.cmpi ne, %convert_element_type3A_56, %cond3A_57 : i32
    scf.if %cond3A_58 {
      %add3A_89 = arith.constant 64 : i32
      %add3A_90 = arith.addi %multiple_of3A, %add3A_89 : i32
      %get3A_91 = arith.index_cast %add3A_90 : i32 to index
      %get3A_92 = arith.constant 0 : index
      %get3A_93 = vector.load %arg8[%get3A_91, %get3A_92] : memref<576x16xf32, #tpu.memory_space<vmem>>, vector<64x16xf32>
      %transpose3A_94 = tpu.transpose %get3A_93, [1, 0] : vector<64x16xf32> -> vector<16x64xf32>
      %convert_element_type3A_95 = arith.truncf %transpose3A_94 : vector<16x64xf32> to vector<16x64xbf16>
      %sub3A_96 = arith.constant 64 : i32
      %sub3A_97 = vector.broadcast %sub3A_96 : i32 to vector<1x5000xi32>
      %sub3A_98 = arith.subi %sub3A_28, %sub3A_97 : vector<1x5000xi32>
      %eq3A_99 = vector.broadcast %sub3A_98 : vector<1x5000xi32> to vector<64x5000xi32>
      %eq3A_100 = vector.broadcast %iota3A : vector<64x1xi32> to vector<64x5000xi32>
      %eq3A_101 = arith.cmpi eq, %eq3A_99, %eq3A_100 : vector<64x5000xi32>
      %convert_element_type3A_102 = arith.extui %eq3A_101 : vector<64x5000xi1> to vector<64x5000xi32>
      %convert_element_type3A_103 = arith.sitofp %convert_element_type3A_102 : vector<64x5000xi32> to vector<64x5000xf32>
      %convert_element_type3A_104 = arith.truncf %convert_element_type3A_103 : vector<64x5000xf32> to vector<64x5000xbf16>
      %get3A_105 = arith.constant 0 : index
      %get3A_106 = arith.constant 0 : index
      %get3A_107 = arith.constant 0 : index
      %get3A_108 = vector.load %arg6[%get3A_105, %get3A_106, %get3A_107] : memref<1x10x5000xf32, #tpu.memory_space<vmem>>, vector<1x10x5000xf32>
      %get3A_109 = vector.shape_cast %get3A_108 : vector<1x10x5000xf32> to vector<10x5000xf32>
      %dot_general3A_110 = arith.constant dense<0.000000e+00> : vector<16x5000xf32>
      %dot_general3A_111 = tpu.matmul %convert_element_type3A_95, %convert_element_type3A_104, %dot_general3A_110 {dimension_numbers = #tpu.dot_dimension_numbers<[1], [0], [0], [1], [0, 0, 1, 1], [], []>, transpose_lhs_hint = false} : vector<16x64xbf16>, vector<64x5000xbf16>, vector<16x5000xf32> -> vector<16x5000xf32>
      %slice3A_112 = vector.extract_strided_slice %dot_general3A_111 {offsets = [0, 0], sizes = [10, 5000], strides = [1, 1]} : vector<16x5000xf32> to vector<10x5000xf32>
      %add3A_113 = arith.addf %get3A_109, %slice3A_112 : vector<10x5000xf32>
      %swap3A_114 = arith.constant 0 : index
      %swap3A_115 = arith.constant 0 : index
      %swap3A_116 = arith.constant 0 : index
      %swap3A_117 = vector.load %arg6[%swap3A_114, %swap3A_115, %swap3A_116] : memref<1x10x5000xf32, #tpu.memory_space<vmem>>, vector<1x10x5000xf32>
      %swap3A_118 = vector.shape_cast %swap3A_117 : vector<1x10x5000xf32> to vector<10x5000xf32>
      %swap3A_119 = vector.shape_cast %add3A_113 : vector<10x5000xf32> to vector<1x10x5000xf32>
      tpu.vector_store %arg6[%swap3A_114, %swap3A_115, %swap3A_116], %swap3A_119 {strides = array<i32>} : memref<1x10x5000xf32, #tpu.memory_space<vmem>>, vector<1x10x5000xf32>,
    } else {
    }
    %ge3A_59 = arith.constant 128 : i32
    %ge3A_60 = arith.cmpi sge, %reduce_max3A_32, %ge3A_59 : i32
    %convert_element_type3A_61 = arith.extui %ge3A_60 : i1 to i32
    %cond3A_62 = arith.constant 0 : i32
    %cond3A_63 = arith.cmpi ne, %convert_element_type3A_61, %cond3A_62 : i32
    scf.if %cond3A_63 {
      %add3A_89 = arith.constant 128 : i32
      %add3A_90 = arith.addi %multiple_of3A, %add3A_89 : i32
      %get3A_91 = arith.index_cast %add3A_90 : i32 to index
      %get3A_92 = arith.constant 0 : index
      %get3A_93 = vector.load %arg8[%get3A_91, %get3A_92] : memref<576x16xf32, #tpu.memory_space<vmem>>, vector<64x16xf32>
      %transpose3A_94 = tpu.transpose %get3A_93, [1, 0] : vector<64x16xf32> -> vector<16x64xf32>
      %convert_element_type3A_95 = arith.truncf %transpose3A_94 : vector<16x64xf32> to vector<16x64xbf16>
      %sub3A_96 = arith.constant 128 : i32
      %sub3A_97 = vector.broadcast %sub3A_96 : i32 to vector<1x5000xi32>
      %sub3A_98 = arith.subi %sub3A_28, %sub3A_97 : vector<1x5000xi32>
      %eq3A_99 = vector.broadcast %sub3A_98 : vector<1x5000xi32> to vector<64x5000xi32>
      %eq3A_100 = vector.broadcast %iota3A : vector<64x1xi32> to vector<64x5000xi32>
      %eq3A_101 = arith.cmpi eq, %eq3A_99, %eq3A_100 : vector<64x5000xi32>
      %convert_element_type3A_102 = arith.extui %eq3A_101 : vector<64x5000xi1> to vector<64x5000xi32>
      %convert_element_type3A_103 = arith.sitofp %convert_element_type3A_102 : vector<64x5000xi32> to vector<64x5000xf32>
      %convert_element_type3A_104 = arith.truncf %convert_element_type3A_103 : vector<64x5000xf32> to vector<64x5000xbf16>
      %get3A_105 = arith.constant 0 : index
      %get3A_106 = arith.constant 0 : index
      %get3A_107 = arith.constant 0 : index
      %get3A_108 = vector.load %arg6[%get3A_105, %get3A_106, %get3A_107] : memref<1x10x5000xf32, #tpu.memory_space<vmem>>, vector<1x10x5000xf32>
      %get3A_109 = vector.shape_cast %get3A_108 : vector<1x10x5000xf32> to vector<10x5000xf32>
      %dot_general3A_110 = arith.constant dense<0.000000e+00> : vector<16x5000xf32>
      %dot_general3A_111 = tpu.matmul %convert_element_type3A_95, %convert_element_type3A_104, %dot_general3A_110 {dimension_numbers = #tpu.dot_dimension_numbers<[1], [0], [0], [1], [0, 0, 1, 1], [], []>, transpose_lhs_hint = false} : vector<16x64xbf16>, vector<64x5000xbf16>, vector<16x5000xf32> -> vector<16x5000xf32>
      %slice3A_112 = vector.extract_strided_slice %dot_general3A_111 {offsets = [0, 0], sizes = [10, 5000], strides = [1, 1]} : vector<16x5000xf32> to vector<10x5000xf32>
      %add3A_113 = arith.addf %get3A_109, %slice3A_112 : vector<10x5000xf32>
      %swap3A_114 = arith.constant 0 : index
      %swap3A_115 = arith.constant 0 : index
      %swap3A_116 = arith.constant 0 : index
      %swap3A_117 = vector.load %arg6[%swap3A_114, %swap3A_115, %swap3A_116] : memref<1x10x5000xf32, #tpu.memory_space<vmem>>, vector<1x10x5000xf32>
      %swap3A_118 = vector.shape_cast %swap3A_117 : vector<1x10x5000xf32> to vector<10x5000xf32>
      %swap3A_119 = vector.shape_cast %add3A_113 : vector<10x5000xf32> to vector<1x10x5000xf32>
      tpu.vector_store %arg6[%swap3A_114, %swap3A_115, %swap3A_116], %swap3A_119 {strides = array<i32>} : memref<1x10x5000xf32, #tpu.memory_space<vmem>>, vector<1x10x5000xf32>,
    } else {
    }
    %ge3A_64 = arith.constant 192 : i32
    %ge3A_65 = arith.cmpi sge, %reduce_max3A_32, %ge3A_64 : i32
    %convert_element_type3A_66 = arith.extui %ge3A_65 : i1 to i32
    %cond3A_67 = arith.constant 0 : i32
    %cond3A_68 = arith.cmpi ne, %convert_element_type3A_66, %cond3A_67 : i32
    scf.if %cond3A_68 {
      %add3A_89 = arith.constant 192 : i32
      %add3A_90 = arith.addi %multiple_of3A, %add3A_89 : i32
      %get3A_91 = arith.index_cast %add3A_90 : i32 to index
      %get3A_92 = arith.constant 0 : index
      %get3A_93 = vector.load %arg8[%get3A_91, %get3A_92] : memref<576x16xf32, #tpu.memory_space<vmem>>, vector<64x16xf32>
      %transpose3A_94 = tpu.transpose %get3A_93, [1, 0] : vector<64x16xf32> -> vector<16x64xf32>
      %convert_element_type3A_95 = arith.truncf %transpose3A_94 : vector<16x64xf32> to vector<16x64xbf16>
      %sub3A_96 = arith.constant 192 : i32
      %sub3A_97 = vector.broadcast %sub3A_96 : i32 to vector<1x5000xi32>
      %sub3A_98 = arith.subi %sub3A_28, %sub3A_97 : vector<1x5000xi32>
      %eq3A_99 = vector.broadcast %sub3A_98 : vector<1x5000xi32> to vector<64x5000xi32>
      %eq3A_100 = vector.broadcast %iota3A : vector<64x1xi32> to vector<64x5000xi32>
      %eq3A_101 = arith.cmpi eq, %eq3A_99, %eq3A_100 : vector<64x5000xi32>
      %convert_element_type3A_102 = arith.extui %eq3A_101 : vector<64x5000xi1> to vector<64x5000xi32>
      %convert_element_type3A_103 = arith.sitofp %convert_element_type3A_102 : vector<64x5000xi32> to vector<64x5000xf32>
      %convert_element_type3A_104 = arith.truncf %convert_element_type3A_103 : vector<64x5000xf32> to vector<64x5000xbf16>
      %get3A_105 = arith.constant 0 : index
      %get3A_106 = arith.constant 0 : index
      %get3A_107 = arith.constant 0 : index
      %get3A_108 = vector.load %arg6[%get3A_105, %get3A_106, %get3A_107] : memref<1x10x5000xf32, #tpu.memory_space<vmem>>, vector<1x10x5000xf32>
      %get3A_109 = vector.shape_cast %get3A_108 : vector<1x10x5000xf32> to vector<10x5000xf32>
      %dot_general3A_110 = arith.constant dense<0.000000e+00> : vector<16x5000xf32>
      %dot_general3A_111 = tpu.matmul %convert_element_type3A_95, %convert_element_type3A_104, %dot_general3A_110 {dimension_numbers = #tpu.dot_dimension_numbers<[1], [0], [0], [1], [0, 0, 1, 1], [], []>, transpose_lhs_hint = false} : vector<16x64xbf16>, vector<64x5000xbf16>, vector<16x5000xf32> -> vector<16x5000xf32>
      %slice3A_112 = vector.extract_strided_slice %dot_general3A_111 {offsets = [0, 0], sizes = [10, 5000], strides = [1, 1]} : vector<16x5000xf32> to vector<10x5000xf32>
      %add3A_113 = arith.addf %get3A_109, %slice3A_112 : vector<10x5000xf32>
      %swap3A_114 = arith.constant 0 : index
      %swap3A_115 = arith.constant 0 : index
      %swap3A_116 = arith.constant 0 : index
      %swap3A_117 = vector.load %arg6[%swap3A_114, %swap3A_115, %swap3A_116] : memref<1x10x5000xf32, #tpu.memory_space<vmem>>, vector<1x10x5000xf32>
      %swap3A_118 = vector.shape_cast %swap3A_117 : vector<1x10x5000xf32> to vector<10x5000xf32>
      %swap3A_119 = vector.shape_cast %add3A_113 : vector<10x5000xf32> to vector<1x10x5000xf32>
      tpu.vector_store %arg6[%swap3A_114, %swap3A_115, %swap3A_116], %swap3A_119 {strides = array<i32>} : memref<1x10x5000xf32, #tpu.memory_space<vmem>>, vector<1x10x5000xf32>,
    } else {
    }
    %ge3A_69 = arith.constant 256 : i32
    %ge3A_70 = arith.cmpi sge, %reduce_max3A_32, %ge3A_69 : i32
    %convert_element_type3A_71 = arith.extui %ge3A_70 : i1 to i32
    %cond3A_72 = arith.constant 0 : i32
    %cond3A_73 = arith.cmpi ne, %convert_element_type3A_71, %cond3A_72 : i32
    scf.if %cond3A_73 {
      %add3A_89 = arith.constant 256 : i32
      %add3A_90 = arith.addi %multiple_of3A, %add3A_89 : i32
      %get3A_91 = arith.index_cast %add3A_90 : i32 to index
      %get3A_92 = arith.constant 0 : index
      %get3A_93 = vector.load %arg8[%get3A_91, %get3A_92] : memref<576x16xf32, #tpu.memory_space<vmem>>, vector<64x16xf32>
      %transpose3A_94 = tpu.transpose %get3A_93, [1, 0] : vector<64x16xf32> -> vector<16x64xf32>
      %convert_element_type3A_95 = arith.truncf %transpose3A_94 : vector<16x64xf32> to vector<16x64xbf16>
      %sub3A_96 = arith.constant 256 : i32
      %sub3A_97 = vector.broadcast %sub3A_96 : i32 to vector<1x5000xi32>
      %sub3A_98 = arith.subi %sub3A_28, %sub3A_97 : vector<1x5000xi32>
      %eq3A_99 = vector.broadcast %sub3A_98 : vector<1x5000xi32> to vector<64x5000xi32>
      %eq3A_100 = vector.broadcast %iota3A : vector<64x1xi32> to vector<64x5000xi32>
      %eq3A_101 = arith.cmpi eq, %eq3A_99, %eq3A_100 : vector<64x5000xi32>
      %convert_element_type3A_102 = arith.extui %eq3A_101 : vector<64x5000xi1> to vector<64x5000xi32>
      %convert_element_type3A_103 = arith.sitofp %convert_element_type3A_102 : vector<64x5000xi32> to vector<64x5000xf32>
      %convert_element_type3A_104 = arith.truncf %convert_element_type3A_103 : vector<64x5000xf32> to vector<64x5000xbf16>
      %get3A_105 = arith.constant 0 : index
      %get3A_106 = arith.constant 0 : index
      %get3A_107 = arith.constant 0 : index
      %get3A_108 = vector.load %arg6[%get3A_105, %get3A_106, %get3A_107] : memref<1x10x5000xf32, #tpu.memory_space<vmem>>, vector<1x10x5000xf32>
      %get3A_109 = vector.shape_cast %get3A_108 : vector<1x10x5000xf32> to vector<10x5000xf32>
      %dot_general3A_110 = arith.constant dense<0.000000e+00> : vector<16x5000xf32>
      %dot_general3A_111 = tpu.matmul %convert_element_type3A_95, %convert_element_type3A_104, %dot_general3A_110 {dimension_numbers = #tpu.dot_dimension_numbers<[1], [0], [0], [1], [0, 0, 1, 1], [], []>, transpose_lhs_hint = false} : vector<16x64xbf16>, vector<64x5000xbf16>, vector<16x5000xf32> -> vector<16x5000xf32>
      %slice3A_112 = vector.extract_strided_slice %dot_general3A_111 {offsets = [0, 0], sizes = [10, 5000], strides = [1, 1]} : vector<16x5000xf32> to vector<10x5000xf32>
      %add3A_113 = arith.addf %get3A_109, %slice3A_112 : vector<10x5000xf32>
      %swap3A_114 = arith.constant 0 : index
      %swap3A_115 = arith.constant 0 : index
      %swap3A_116 = arith.constant 0 : index
      %swap3A_117 = vector.load %arg6[%swap3A_114, %swap3A_115, %swap3A_116] : memref<1x10x5000xf32, #tpu.memory_space<vmem>>, vector<1x10x5000xf32>
      %swap3A_118 = vector.shape_cast %swap3A_117 : vector<1x10x5000xf32> to vector<10x5000xf32>
      %swap3A_119 = vector.shape_cast %add3A_113 : vector<10x5000xf32> to vector<1x10x5000xf32>
      tpu.vector_store %arg6[%swap3A_114, %swap3A_115, %swap3A_116], %swap3A_119 {strides = array<i32>} : memref<1x10x5000xf32, #tpu.memory_space<vmem>>, vector<1x10x5000xf32>,
    } else {
    }
    %ge3A_74 = arith.constant 320 : i32
    %ge3A_75 = arith.cmpi sge, %reduce_max3A_32, %ge3A_74 : i32
    %convert_element_type3A_76 = arith.extui %ge3A_75 : i1 to i32
    %cond3A_77 = arith.constant 0 : i32
    %cond3A_78 = arith.cmpi ne, %convert_element_type3A_76, %cond3A_77 : i32
    scf.if %cond3A_78 {
      %add3A_89 = arith.constant 320 : i32
      %add3A_90 = arith.addi %multiple_of3A, %add3A_89 : i32
      %get3A_91 = arith.index_cast %add3A_90 : i32 to index
      %get3A_92 = arith.constant 0 : index
      %get3A_93 = vector.load %arg8[%get3A_91, %get3A_92] : memref<576x16xf32, #tpu.memory_space<vmem>>, vector<64x16xf32>
      %transpose3A_94 = tpu.transpose %get3A_93, [1, 0] : vector<64x16xf32> -> vector<16x64xf32>
      %convert_element_type3A_95 = arith.truncf %transpose3A_94 : vector<16x64xf32> to vector<16x64xbf16>
      %sub3A_96 = arith.constant 320 : i32
      %sub3A_97 = vector.broadcast %sub3A_96 : i32 to vector<1x5000xi32>
      %sub3A_98 = arith.subi %sub3A_28, %sub3A_97 : vector<1x5000xi32>
      %eq3A_99 = vector.broadcast %sub3A_98 : vector<1x5000xi32> to vector<64x5000xi32>
      %eq3A_100 = vector.broadcast %iota3A : vector<64x1xi32> to vector<64x5000xi32>
      %eq3A_101 = arith.cmpi eq, %eq3A_99, %eq3A_100 : vector<64x5000xi32>
      %convert_element_type3A_102 = arith.extui %eq3A_101 : vector<64x5000xi1> to vector<64x5000xi32>
      %convert_element_type3A_103 = arith.sitofp %convert_element_type3A_102 : vector<64x5000xi32> to vector<64x5000xf32>
      %convert_element_type3A_104 = arith.truncf %convert_element_type3A_103 : vector<64x5000xf32> to vector<64x5000xbf16>
      %get3A_105 = arith.constant 0 : index
      %get3A_106 = arith.constant 0 : index
      %get3A_107 = arith.constant 0 : index
      %get3A_108 = vector.load %arg6[%get3A_105, %get3A_106, %get3A_107] : memref<1x10x5000xf32, #tpu.memory_space<vmem>>, vector<1x10x5000xf32>
      %get3A_109 = vector.shape_cast %get3A_108 : vector<1x10x5000xf32> to vector<10x5000xf32>
      %dot_general3A_110 = arith.constant dense<0.000000e+00> : vector<16x5000xf32>
      %dot_general3A_111 = tpu.matmul %convert_element_type3A_95, %convert_element_type3A_104, %dot_general3A_110 {dimension_numbers = #tpu.dot_dimension_numbers<[1], [0], [0], [1], [0, 0, 1, 1], [], []>, transpose_lhs_hint = false} : vector<16x64xbf16>, vector<64x5000xbf16>, vector<16x5000xf32> -> vector<16x5000xf32>
      %slice3A_112 = vector.extract_strided_slice %dot_general3A_111 {offsets = [0, 0], sizes = [10, 5000], strides = [1, 1]} : vector<16x5000xf32> to vector<10x5000xf32>
      %add3A_113 = arith.addf %get3A_109, %slice3A_112 : vector<10x5000xf32>
      %swap3A_114 = arith.constant 0 : index
      %swap3A_115 = arith.constant 0 : index
      %swap3A_116 = arith.constant 0 : index
      %swap3A_117 = vector.load %arg6[%swap3A_114, %swap3A_115, %swap3A_116] : memref<1x10x5000xf32, #tpu.memory_space<vmem>>, vector<1x10x5000xf32>
      %swap3A_118 = vector.shape_cast %swap3A_117 : vector<1x10x5000xf32> to vector<10x5000xf32>
      %swap3A_119 = vector.shape_cast %add3A_113 : vector<10x5000xf32> to vector<1x10x5000xf32>
      tpu.vector_store %arg6[%swap3A_114, %swap3A_115, %swap3A_116], %swap3A_119 {strides = array<i32>} : memref<1x10x5000xf32, #tpu.memory_space<vmem>>, vector<1x10x5000xf32>,
    } else {
    }
    %ge3A_79 = arith.constant 384 : i32
    %ge3A_80 = arith.cmpi sge, %reduce_max3A_32, %ge3A_79 : i32
    %convert_element_type3A_81 = arith.extui %ge3A_80 : i1 to i32
    %cond3A_82 = arith.constant 0 : i32
    %cond3A_83 = arith.cmpi ne, %convert_element_type3A_81, %cond3A_82 : i32
    scf.if %cond3A_83 {
      %add3A_89 = arith.constant 384 : i32
      %add3A_90 = arith.addi %multiple_of3A, %add3A_89 : i32
      %get3A_91 = arith.index_cast %add3A_90 : i32 to index
      %get3A_92 = arith.constant 0 : index
      %get3A_93 = vector.load %arg8[%get3A_91, %get3A_92] : memref<576x16xf32, #tpu.memory_space<vmem>>, vector<64x16xf32>
      %transpose3A_94 = tpu.transpose %get3A_93, [1, 0] : vector<64x16xf32> -> vector<16x64xf32>
      %convert_element_type3A_95 = arith.truncf %transpose3A_94 : vector<16x64xf32> to vector<16x64xbf16>
      %sub3A_96 = arith.constant 384 : i32
      %sub3A_97 = vector.broadcast %sub3A_96 : i32 to vector<1x5000xi32>
      %sub3A_98 = arith.subi %sub3A_28, %sub3A_97 : vector<1x5000xi32>
      %eq3A_99 = vector.broadcast %sub3A_98 : vector<1x5000xi32> to vector<64x5000xi32>
      %eq3A_100 = vector.broadcast %iota3A : vector<64x1xi32> to vector<64x5000xi32>
      %eq3A_101 = arith.cmpi eq, %eq3A_99, %eq3A_100 : vector<64x5000xi32>
      %convert_element_type3A_102 = arith.extui %eq3A_101 : vector<64x5000xi1> to vector<64x5000xi32>
      %convert_element_type3A_103 = arith.sitofp %convert_element_type3A_102 : vector<64x5000xi32> to vector<64x5000xf32>
      %convert_element_type3A_104 = arith.truncf %convert_element_type3A_103 : vector<64x5000xf32> to vector<64x5000xbf16>
      %get3A_105 = arith.constant 0 : index
      %get3A_106 = arith.constant 0 : index
      %get3A_107 = arith.constant 0 : index
      %get3A_108 = vector.load %arg6[%get3A_105, %get3A_106, %get3A_107] : memref<1x10x5000xf32, #tpu.memory_space<vmem>>, vector<1x10x5000xf32>
      %get3A_109 = vector.shape_cast %get3A_108 : vector<1x10x5000xf32> to vector<10x5000xf32>
      %dot_general3A_110 = arith.constant dense<0.000000e+00> : vector<16x5000xf32>
      %dot_general3A_111 = tpu.matmul %convert_element_type3A_95, %convert_element_type3A_104, %dot_general3A_110 {dimension_numbers = #tpu.dot_dimension_numbers<[1], [0], [0], [1], [0, 0, 1, 1], [], []>, transpose_lhs_hint = false} : vector<16x64xbf16>, vector<64x5000xbf16>, vector<16x5000xf32> -> vector<16x5000xf32>
      %slice3A_112 = vector.extract_strided_slice %dot_general3A_111 {offsets = [0, 0], sizes = [10, 5000], strides = [1, 1]} : vector<16x5000xf32> to vector<10x5000xf32>
      %add3A_113 = arith.addf %get3A_109, %slice3A_112 : vector<10x5000xf32>
      %swap3A_114 = arith.constant 0 : index
      %swap3A_115 = arith.constant 0 : index
      %swap3A_116 = arith.constant 0 : index
      %swap3A_117 = vector.load %arg6[%swap3A_114, %swap3A_115, %swap3A_116] : memref<1x10x5000xf32, #tpu.memory_space<vmem>>, vector<1x10x5000xf32>
      %swap3A_118 = vector.shape_cast %swap3A_117 : vector<1x10x5000xf32> to vector<10x5000xf32>
      %swap3A_119 = vector.shape_cast %add3A_113 : vector<10x5000xf32> to vector<1x10x5000xf32>
      tpu.vector_store %arg6[%swap3A_114, %swap3A_115, %swap3A_116], %swap3A_119 {strides = array<i32>} : memref<1x10x5000xf32, #tpu.memory_space<vmem>>, vector<1x10x5000xf32>,
    } else {
    }
    %ge3A_84 = arith.constant 448 : i32
    %ge3A_85 = arith.cmpi sge, %reduce_max3A_32, %ge3A_84 : i32
    %convert_element_type3A_86 = arith.extui %ge3A_85 : i1 to i32
    %cond3A_87 = arith.constant 0 : i32
    %cond3A_88 = arith.cmpi ne, %convert_element_type3A_86, %cond3A_87 : i32
    scf.if %cond3A_88 {
      %add3A_89 = arith.constant 448 : i32
      %add3A_90 = arith.addi %multiple_of3A, %add3A_89 : i32
      %get3A_91 = arith.index_cast %add3A_90 : i32 to index
      %get3A_92 = arith.constant 0 : index
      %get3A_93 = vector.load %arg8[%get3A_91, %get3A_92] : memref<576x16xf32, #tpu.memory_space<vmem>>, vector<64x16xf32>
      %transpose3A_94 = tpu.transpose %get3A_93, [1, 0] : vector<64x16xf32> -> vector<16x64xf32>
      %convert_element_type3A_95 = arith.truncf %transpose3A_94 : vector<16x64xf32> to vector<16x64xbf16>
      %sub3A_96 = arith.constant 448 : i32
      %sub3A_97 = vector.broadcast %sub3A_96 : i32 to vector<1x5000xi32>
      %sub3A_98 = arith.subi %sub3A_28, %sub3A_97 : vector<1x5000xi32>
      %eq3A_99 = vector.broadcast %sub3A_98 : vector<1x5000xi32> to vector<64x5000xi32>
      %eq3A_100 = vector.broadcast %iota3A : vector<64x1xi32> to vector<64x5000xi32>
      %eq3A_101 = arith.cmpi eq, %eq3A_99, %eq3A_100 : vector<64x5000xi32>
      %convert_element_type3A_102 = arith.extui %eq3A_101 : vector<64x5000xi1> to vector<64x5000xi32>
      %convert_element_type3A_103 = arith.sitofp %convert_element_type3A_102 : vector<64x5000xi32> to vector<64x5000xf32>
      %convert_element_type3A_104 = arith.truncf %convert_element_type3A_103 : vector<64x5000xf32> to vector<64x5000xbf16>
      %get3A_105 = arith.constant 0 : index
      %get3A_106 = arith.constant 0 : index
      %get3A_107 = arith.constant 0 : index
      %get3A_108 = vector.load %arg6[%get3A_105, %get3A_106, %get3A_107] : memref<1x10x5000xf32, #tpu.memory_space<vmem>>, vector<1x10x5000xf32>
      %get3A_109 = vector.shape_cast %get3A_108 : vector<1x10x5000xf32> to vector<10x5000xf32>
      %dot_general3A_110 = arith.constant dense<0.000000e+00> : vector<16x5000xf32>
      %dot_general3A_111 = tpu.matmul %convert_element_type3A_95, %convert_element_type3A_104, %dot_general3A_110 {dimension_numbers = #tpu.dot_dimension_numbers<[1], [0], [0], [1], [0, 0, 1, 1], [], []>, transpose_lhs_hint = false} : vector<16x64xbf16>, vector<64x5000xbf16>, vector<16x5000xf32> -> vector<16x5000xf32>
      %slice3A_112 = vector.extract_strided_slice %dot_general3A_111 {offsets = [0, 0], sizes = [10, 5000], strides = [1, 1]} : vector<16x5000xf32> to vector<10x5000xf32>
      %add3A_113 = arith.addf %get3A_109, %slice3A_112 : vector<10x5000xf32>
      %swap3A_114 = arith.constant 0 : index
      %swap3A_115 = arith.constant 0 : index
      %swap3A_116 = arith.constant 0 : index
      %swap3A_117 = vector.load %arg6[%swap3A_114, %swap3A_115, %swap3A_116] : memref<1x10x5000xf32, #tpu.memory_space<vmem>>, vector<1x10x5000xf32>
      %swap3A_118 = vector.shape_cast %swap3A_117 : vector<1x10x5000xf32> to vector<10x5000xf32>
      %swap3A_119 = vector.shape_cast %add3A_113 : vector<10x5000xf32> to vector<1x10x5000xf32>
      tpu.vector_store %arg6[%swap3A_114, %swap3A_115, %swap3A_116], %swap3A_119 {strides = array<i32>} : memref<1x10x5000xf32, #tpu.memory_space<vmem>>, vector<1x10x5000xf32>,
    } else {
    }
    return
  }
  func.func @transform_0(%arg0: i32) -> (i32, i32, i32) {
    %c0_i32 = arith.constant 0 : i32
    %c0_i32_0 = arith.constant 0 : i32
    %c0_i32_1 = arith.constant 0 : i32
    return %arg0, %c0_i32, %c0_i32_0 : i32, i32, i32
  }
  func.func @transform_1(%arg0: i32) -> (i32, i32, i32) {
    %c0_i32 = arith.constant 0 : i32
    %c0_i32_0 = arith.constant 0 : i32
    %c0_i32_1 = arith.constant 0 : i32
    return %arg0, %c0_i32, %c0_i32_0 : i32, i32, i32
  }
  func.func @transform_2(%arg0: i32) -> (i32, i32, i32) {
    %c0_i32 = arith.constant 0 : i32
    %c0_i32_0 = arith.constant 0 : i32
    %c0_i32_1 = arith.constant 0 : i32
    %c0_i32_2 = arith.constant 0 : i32
    return %c0_i32, %c0_i32_0, %c0_i32_1 : i32, i32, i32
  }
  func.func @transform_3(%arg0: i32) -> (i32, i32) {
    %c0_i32 = arith.constant 0 : i32
    %c0_i32_0 = arith.constant 0 : i32
    %c0_i32_1 = arith.constant 0 : i32
    return %c0_i32, %c0_i32_0 : i32, i32
  }
  func.func @transform_4(%arg0: i32) -> (i32, i32) {
    %c0_i32 = arith.constant 0 : i32
    %c0_i32_0 = arith.constant 0 : i32
    %c0_i32_1 = arith.constant 0 : i32
    return %c0_i32, %c0_i32_0 : i32, i32
  }
  func.func @transform_5(%arg0: i32) -> (i32, i32, i32) {
    %c0_i32 = arith.constant 0 : i32
    %c0_i32_0 = arith.constant 0 : i32
    %c0_i32_1 = arith.constant 0 : i32
    return %arg0, %c0_i32, %c0_i32_0 : i32, i32, i32
  }
  func.func @transform_6(%arg0: i32) -> (i32, i32) {
    %c0_i32 = arith.constant 0 : i32
    %c0_i32_0 = arith.constant 0 : i32
    %c0_i32_1 = arith.constant 0 : i32
    return %c0_i32, %c0_i32_0 : i32, i32
  }
}

</mosaic_0001>

<sc_bundles>
// kernel: kernel.5.cloned.1.call-start
scs
__scs_entry_jumppad:
0x0: {  	(pc) =	sbr.rel $0x88, $3  }
0x1: {  	(tag) =	ssettag $0x0;
	lr =	simm.s32 $0x1  }
0x2: {  	[smem:$0x3F9C] =	sst lr;
	_ =	strace $0xD0000000  }
0x3: {  	_ = 	snop  }
0x4: {  	_ = 	snop  }
0x5: {  	_ = 	snop  }
0x6: {  	_ = 	snop  }
0x7: {  	_ = 	snop  }
__scs_overlays_trampoline_lowered:
0x8: {  	[smem:$0x3FAB] =	sst s0  }
0x9: {  	[smem:$0x3FAC] =	sst s1  }
0xa: {  	[smem:$0x3FAD] =	sst s2  }
0xb: {  	[smem:$0x3FAE] =	sst s3  }
0xc: {  	[smem:$0x3FAF] =	sst s4  }
0xd: {  	[smem:$0x3FB0] =	sst s5  }
0xe: {  	[smem:$0x3FB1] =	sst s6  }
0xf: {  	[smem:$0x3FB2] =	sst s7  }
0x10: {  	[smem:$0x3FB3] =	sst s8  }
0x11: {  	[smem:$0x3FB4] =	sst s9;
	s0 =	simm.s32 @!p0 $0x0  }
0x12: {  	s1 =	sld [smem:$0x3F9A];
	s0 =	simm.s32 @p0 $0x1  }
0x13: {  	[smem:$0x3FB5] =	sst s0;
	s0 =	simm.s32 @!p1 $0x0  }
0x14: {  	s2 =	sld [smem:$0x3F99];
	s0 =	simm.s32 @p1 $0x1  }
0x15: {  	[smem:$0x3FB6] =	sst s0;
	s0 =	simm.s32 @!p2 $0x0  }
0x16: {  	s3 =	sld [smem:$0x3FDB];
	s0 =	simm.s32 @p2 $0x1  }
0x17: {  	s4 =	simm.s32 $0x1BF5;
	[smem:$0x3FB8] =	sst s0  }
0x18: {  	s0 =	sld [smem:$0x3F9B];
	_ =	swait.ge [sflag:s4], $0x0  }
0x19: {  	s7 =	sld [smem:$0x3F9C]  }
0x1a: {  	s8 =	sadd.s32 $0xFFFFE003, lr  }
0x1b: {  	s9 =	sadd.s32 $0xFFFFFEF7, lr;
	s5 =	simm.s32 $0xFFFFFFFF;
	p2 =	slt.u32 s8, $0xFFFFF086  }
0x1c: {  	p1 =	slt.u32 s9, $0xF7A;
	s5 =	simm.s32 @!p2 $0x0  }
0x1d: {  	s5 =	simm.s32 @p1 $0x1;
	p0 =	seq.s32 s7, s2  }
0x1e: {  	s7 =	smul.u32 @!p0 $0xF7A, s2;
	p2 =	seq.s32 @!p0 s5, $0x0  }
0x1f: {  	s9 =	smul.u32 $0xF7A, s1;
	s8 =	simm.s32 @!p0 $0x1BF5;
	p2 =	por !p2, p0  }
0x20: {  	[sflag:s8] =	ssyncset.s32 @!p0 $0xFFFFF086;
	s6 =	sadd.s32 @!p0 s3, s7;
	s7 =	simm.s32 @!p0 $0x108  }
0x21: {  	s3 =	sadd.s32 s3, s9;
	s6 =	sadd.s32 @!p0 $0x88, s6;
	s7 =	simm.s32 @p2 $0x1082  }
0x22: {  	[simem:s7], [sflag:s8] =	dma.local @!p0 [hbm:s6], $0xF7A  }
0x23: {  	s9 =	sor.u32 $0xD0000000, s2;
	s6 =	simm.s32 $0x108;
	_ =	swait.ge @!p0 [sflag:s8], $0x0  }
0x24: {  	s3 =	sadd.s32 $0x88, s3;
	s6 =	simm.s32 @!p1 $0x1082;
	[sflag:s4] =	ssyncset.s32 $0xFFFFF086  }
0x25: {  	[simem:s6], [sflag:s4] =	dma.local [hbm:s3], $0xF7A  }
0x26: {  	[smem:$0x3F9C] =	sst s1;
	(tag) =	ssettag s2;
	_ =	strace s9  }
0x27: {  	s1 =	sld [smem:$0x3FAC]  }
0x28: {  	s2 =	sld [smem:$0x3FAD]  }
0x29: {  	s4 =	sld [smem:$0x3FAF]  }
0x2a: {  	p0 =	seq.s32 s5, $0x0;
	s5 =	sld [smem:$0x3FB0]  }
0x2b: {  	s6 =	sld [smem:$0x3FB1]  }
0x2c: {  	s7 =	sld [smem:$0x3FB2]  }
0x2d: {  	s3 =	simm.s32 $0x108;
	s8 =	sld [smem:$0x3FB3]  }
0x2e: {  	s3 =	simm.s32 @!p0 $0x1082;
	s9 =	sld [smem:$0x3FB4]  }
0x2f: {  	lr =	sadd.s32 s0, s3;
	s0 =	sld [smem:$0x3FAB]  }
0x30: {  	s3 =	sld [smem:$0x3FAE]  }
0x31: {  	[smem:$0x3FB7] =	sst s10  }
0x32: {  	s10 =	sld [smem:$0x3FB5];
	_ =	sdelay $0x3  }
0x33: {  	p0 =	seq.s32 s10, $0x1;
	s10 =	sld [smem:$0x3FB7];
	_ =	sdelay $0x3  }
0x34: {  	[smem:$0x3FB7] =	sst s10  }
0x35: {  	s10 =	sld [smem:$0x3FB6];
	_ =	sdelay $0x3  }
0x36: {  	p1 =	seq.s32 s10, $0x1;
	s10 =	sld [smem:$0x3FB7];
	_ =	sdelay $0x3  }
0x37: {  	[smem:$0x3FB7] =	sst s10  }
0x38: {  	s10 =	sld [smem:$0x3FB8]  }
0x39: {  	_ = 	snop;
	(pc) =	sbr.ind lr, $3  }
0x3a: {  	_ = 	snop  }
0x3b: {  	_ = 	snop  }
0x3c: {  	p2 =	seq.s32 s10, $0x1;
	s10 =	sld [smem:$0x3FB7]  }
0x3d: {  	_ =	shalt  }
0x3e: {  	_ =	shalt  }
0x3f: {  	_ =	shalt  }
0x40: {  	_ =	shalt  }
0x41: {  	_ =	shalt  }
0x42: {  	_ =	shalt  }
0x43: {  	_ =	shalt  }
0x44: {  	_ =	shalt  }
0x45: {  	_ =	shalt  }
0x46: {  	_ =	shalt  }
0x47: {  	_ =	shalt  }
0x48: {  	_ =	shalt  }
0x49: {  	_ =	shalt  }
0x4a: {  	_ =	shalt  }
0x4b: {  	_ =	shalt  }
0x4c: {  	_ =	shalt  }
0x4d: {  	_ =	shalt  }
0x4e: {  	_ =	shalt  }
0x4f: {  	_ =	shalt  }
0x50: {  	_ =	shalt  }
0x51: {  	_ =	shalt  }
0x52: {  	_ =	shalt  }
0x53: {  	_ =	shalt  }
0x54: {  	_ =	shalt  }
0x55: {  	_ =	shalt  }
0x56: {  	_ =	shalt  }
0x57: {  	_ =	shalt  }
0x58: {  	_ =	shalt  }
0x59: {  	_ =	shalt  }
0x5a: {  	_ =	shalt  }
0x5b: {  	_ =	shalt  }
0x5c: {  	_ =	shalt  }
0x5d: {  	_ =	shalt  }
0x5e: {  	_ =	shalt  }
0x5f: {  	_ =	shalt  }
0x60: {  	_ =	shalt  }
0x61: {  	_ =	shalt  }
0x62: {  	_ =	shalt  }
0x63: {  	_ =	shalt  }
0x64: {  	_ =	shalt  }
0x65: {  	_ =	shalt  }
0x66: {  	_ =	shalt  }
0x67: {  	_ =	shalt  }
0x68: {  	_ =	shalt  }
0x69: {  	_ =	shalt  }
0x6a: {  	_ =	shalt  }
0x6b: {  	_ =	shalt  }
0x6c: {  	_ =	shalt  }
0x6d: {  	_ =	shalt  }
0x6e: {  	_ =	shalt  }
0x6f: {  	_ =	shalt  }
0x70: {  	_ =	shalt  }
0x71: {  	_ =	shalt  }
0x72: {  	_ =	shalt  }
0x73: {  	_ =	shalt  }
0x74: {  	_ =	shalt  }
0x75: {  	_ =	shalt  }
0x76: {  	_ =	shalt  }
0x77: {  	_ =	shalt  }
0x78: {  	_ =	shalt  }
0x79: {  	_ =	shalt  }
0x7a: {  	_ =	shalt  }
0x7b: {  	_ =	shalt  }
0x7c: {  	_ =	shalt  }
0x7d: {  	_ =	shalt  }
0x7e: {  	_ =	shalt  }
0x7f: {  	_ =	shalt  }
0x80: {  	_ =	shalt  }
0x81: {  	_ =	shalt  }
0x82: {  	_ =	shalt  }
0x83: {  	_ =	shalt  }
0x84: {  	_ =	shalt  }
0x85: {  	_ =	shalt  }
0x86: {  	_ =	shalt  }
0x87: {  	_ =	shalt  }
.Lfunc_end0:
.L_simem_size_0:
called_computation_lowered:
.L_overlay_start_0:
0x88: {  	s2 =	sld [smem:$0x3FD9]  }
0x89: {  	s3 =	sld [smem:$0x3FFE];
	_ =	sdelay $0x1  }
0x8a: {  	s1 =	srdreg.scid  }
0x8b: {  	s0 =	sand.u32 $0x1, s1  }
0x8c: {  	s14 =	sshll.u32 s0, $0xA;
	s2 =	sadd.s32 s3, s2  }
0x8d: {  	s2 =	sadd.s32 s2, s14  }
0x8e: {  	[smem:$0x3FC3] =	sst s2  }
0x8f: {  	_ = 	snop  }
0x90: {  	s2 =	sld [smem:$0x3FD0];
	_ =	sdelay $0x1  }
0x91: {  	s15 =	sld [smem:$0x3FC9]  }
0x92: {  	s5 =	simm.s32 $0xA;
	s6 =	simm.s32 $0x10;
	s4 =	sld [smem:$0x3FC8]  }
0x93: {  	[smem:s6], [sflag:s5] =	dma.local [hbm:s2], $0x1  }
0x94: {  	_ =	swait.eq [sflag:s5], $0x1  }
0x95: {  	[sflag:s5] =	ssyncset.done $0x0  }
0x96: {  	[sflag:s5] =	ssyncadd.s32 $0xFFFFFFFF  }
0x97: {  	s16 =	sld [smem:$0x11];
	(tm) =	ssettm $0x1  }
0x98: {  	s17 =	sld [smem:$0x3FFB];
	_ =	sdelay $0x3  }
0x99: {  	_ =	strace s17  }
0x9a: {  	s5 =	sld [smem:$0x3FFC];
	_ =	sdelay $0x3  }
0x9b: {  	_ =	strace s5  }
0x9c: {  	s5 =	sld [smem:$0x3FFD];
	_ =	sdelay $0x3  }
0x9d: {  	_ =	strace s5  }
0x9e: {  	_ =	strace $0x8FFFFFFF  }
0x9f: {  	s18 =	sld [smem:$0x3FDB];
	_ =	sdelay $0x1  }
0xa0: {  	s19 =	simm.s32 $_scs_section_size  }
0xa1: {  	s7 =	simm.s32 $_size__tile_overlayer_lowered;
	s8 =	simm.s32 $_tile_overlayer_lowered  }
0xa2: {  	s22 =	simm.s32 $0x1BFF;
	s21 =	sshll.u32 s8, $0x1;
	s5 =	sadd.s32 s19, s18  }
0xa3: {  	s9 =	simm.s32 $0x0;
	s20 =	sshll.u32 s7, $0x1;
	s7 =	sadd.s32 s21, s5  }
0xa4: {  	[timem:s9], [sflag:s22] =	dma.local [hbm:s7], s20  }
0xa5: {  	_ =	swait.ge [sflag:s22], s20  }
0xa6: {  	s6 =	ssub.s32 $0x0, s20;
	[sflag:s22] =	ssyncset.done $0x0  }
0xa7: {  	[sflag:s22] =	ssyncadd.s32 s6;
	_ =	sdelay $0x1  }
0xa8: {  	s23 =	simm.s32 $0x1B8B  }
0xa9: {  	_ =	swait.ge [sflag:s23], $0x1  }
0xaa: {  	[sflag:s23] =	ssyncset.done $0x0  }
0xab: {  	s25 =	simm.s32 $0x1B8E;
	s24 =	sld [smem:$0x3FFE];
	[sflag:s23] =	ssyncadd.s32 $0xFFFFFFFF  }
0xac: {  	s26 =	simm.s32 $execute0_lowered;
	[smem:$0x3FD2] =	sst s25  }
0xad: {  	s7 =	sshll.u32 s26, $0x1;
	_ =	strace $0x80000046;
	[dreg:$0x1] =	wrdreg $0xFFFFFFFF  }
0xae: {  	s28 =	simm.s32 $_size_execute0_lowered;
	s5 =	sadd.s32 s5, s7;
	[dreg:$0x0] =	wrdreg $0x0  }
0xaf: {  	s7 =	sshll.u32 s28, $0x1;
	[dreg:$0x2] =	wrdreg s5  }
0xb0: {  	[dreg:$0x3] =	wrdreg s7  }
0xb1: {  	[dreg:$0x4] =	wrdreg $0xC0  }
0xb2: {  	_ =	task [dreg:s9], $0x5FFFF  }
0xb3: {  	[dreg:$0x1] =	wrdreg $0xFFFFFFFF  }
0xb4: {  	[dreg:$0x0] =	wrdreg $0x60  }
0xb5: {  	[dreg:$0x2] =	wrdreg s15  }
0xb6: {  	[dreg:$0x3] =	wrdreg s24  }
0xb7: {  	[dreg:$0x4] =	wrdreg s4  }
0xb8: {  	[dreg:$0x5] =	wrdreg s16  }
0xb9: {  	[dreg:$0x6] =	wrdreg $0x103000  }
0xba: {  	[dreg:$0x7] =	wrdreg $0x9  }
0xbb: {  	_ =	task.clear_ibuf [dreg:s9], $0x8FFFF;
	_ =	strace $0x90000046  }
0xbc: {  	s29 =	simm.s32 $0x9;
	_ =	strace $0x80000048  }
0xbd: {  	_ =	swait.ge [sflag:s29], $0x1  }
0xbe: {  	[sflag:s29] =	ssyncadd.s32 $0xFFFFFFFF  }
0xbf: {  	_ =	strace $0x90000048  }
0xc0: {  	_ =	sfence  }
0xc1: {  	s30 =	sld [smem:$0x0];
	_ =	sdelay $0x2  }
0xc2: {  	s31 =	sshll.u32 s1, $0xD;
	s1 =	sshrl.u32 s1, $0x2  }
0xc3: {  	s3 =	sand.u32 $0x4000, s31;
	s1 =	sadd.s32 s1, s30  }
0xc4: {  	s0 =	sor.u32 s3, s0;
	s1 =	sshll.u32 s1, $0x11  }
0xc5: {  	s0 =	sor.u32 s1, s0  }
0xc6: {  	s0 =	sadd.s32 $0x8F2B, s0  }
0xc7: {  	[sflag:s0] =	ssyncadd.remote.s32 $0x1  }
0xc8: {  	_ =	sfence.sel $0xFFFF  }
0xc9: {  	[dreg:$0x0] =	wrdreg $0xFFFFFFFF;
	(pc) =	sbr.abs _section_cstart, $3  }
0xca: {  	[dreg:$0x1] =	wrdreg $0xFFFFFFFF  }
0xcb: {  	_ =	task.clear_ibuf [dreg:s9], $0x2FFFF;
	_ =	strace $0x9FFFFFFF  }
0xcc: {  	(tm) =	ssettm $0x7FFFFFFF  }
0xcd: {  	_ =	shalt  }
tec
execute0_lowered:
.L_overlay_start_1:
0x0: {  	(tag) =	ssettag $0x1  }
0x1: {  	s1 =	rddreg [dreg:$0x0]  }
0x2: {  	s13 =	rddreg [dreg:$0x1]  }
0x3: {  	s11 =	rddreg [dreg:$0x2]  }
0x4: {  	s15 =	rddreg [dreg:$0x3]  }
0x5: {  	s2 =	rddreg [dreg:$0x4]  }
0x6: {  	s0 =	rddreg [dreg:$0x5];
	s3 =	simm.s32 $0x0;
	s4 =	srdreg.scid  }
0x7: {  	s16 =	stileid.u32;
	s19 =	simm.s32 $0x0;
	[smem:$0x7FF] =	sst s3  }
0x8: {  	s17 =	sand.u32 $0x1, s4;
	s5 =	sshll.u32 s16, $0x1;
	s4 =	sadd.s32 $0x1200, s13  }
0x9: {  	s6 =	sadd.s32 $0x4400, s13;
	s11 =	sadd.s32 $0x30D0, s11;
	s12 =	sadd.s32 $0x186800, s1  }
0xa: {  	s13 =	sadd.s32 $0x42C0, s13;
	s14 =	sadd.s32 $0x186000, s1;
	p0 =	sne.s32 s16, $0x0  }
0xb: {  	_ =	strace $0x80000047;
	s7 =	ssub.s32 $0x2, s17;
	s5 =	sor.u32 s17, s5  }
0xc: {  	s17 =	sshll.u32 s17, $0xD;
	s8 =	sshrl.u32 s7, $0x1;
	s30 =	ssub.s32 $0x1A5, s5  }
0xd: {  	s31 =	sshll.u32 s5, $0x8;
	s9 =	sshll.u32 s5, $0x5;
	s10 =	sshll.u32 s5, $0xC  }
0xe: {  	s15 =	sadd.s32 s15, s17;
	p1 =	seq.s32 s5, $0x1F;
	s17 =	sshrl.u32 @!p0 s2, $0x3  }
0xf: {  	s18 =	ssub.s32 s7, s8;
	s7 =	sshrl.u32 s30, $0x5;
	s8 =	sand.u32 $0x300, s31  }
0x10: {  	s9 =	sadd.s32 s4, s9;
	s10 =	sadd.s32 s1, s10;
	p2 =	sne.s32 @!p1 s5, $0x1E  }
0x11: {  	s16 =	smax.u32 s18, $0x1;
	s18 =	simm.s32 $0x200;
	p2 =	por p2, p1  }
.LBB2_1:
0x12: {  	s20 =	simm.s32 @!p0 $0x1C03  }
0x13: {  	[spmem:s17], [sflag:s20] =	dma.local @!p0 [hbm:s6], $0x2000  }
0x14: {  	s20 =	simm.s32 @!p0 $0x3  }
0x15: {  	_ =	swait.ge @!p0 [sflag:s20], $0x2000  }
0x16: {  	[sflag:s20] =	ssyncset.done @!p0 $0x0  }
0x17: {  	[sflag:s20] =	ssyncadd.s32 @!p0 $0xFFFFE000  }
0x18: {  	[bflag:$0x0] =	sbarrier.arrive $0xFFFF  }
0x19: {  	[tilespmem:s3], [sflag:$0x1] =	stream.linear.gather [hbm4b:s9+s3], $0x100, $0x38;
	[tilespmem:$0x11300] =	vst v63  }
0x1a: {  	s20 =	simm.s32 $0x0  }
0x1b: {  	[tilespmem:s18], [sflag:$0x1] =	stream.linear.gather [hbm4b:s10+s3], $0x8000, $0x38;
	[tilespmem:$0x11300] =	vst v63  }
.LBB2_2:
0x1c: {  	s21 =	sand.u32 $0x1, s20  }
0x1d: {  	p3 =	seq.s32 s21, $0x1  }
0x1e: {  	s21 =	sadd.s32 @p3 $0x1, s20  }
0x1f: {  	p4 =	sge.u32 @p3 s21, s7  }
0x20: {  	p4 =	por p4, !p3  }
0x21: {  	s22 =	sshll.u32 @!p4 s21, $0x5  }
0x22: {  	s22 =	sor.u32 @!p4 s5, s22  }
0x23: {  	s23 =	sshll.u32 @!p4 s22, $0x8  }
0x24: {  	s23 =	sand.u32 @!p4 $0x7FFFDC00, s23  }
0x25: {  	s23 =	sor.u32 @!p4 s8, s23  }
0x26: {  	s22 =	sshll.u32 @!p4 s22, $0xC;
	s23 =	sshrl.u32 @!p4 s23, $0x3  }
0x27: {  	s24 =	simm.s32 @!p4 $0x0;
	s22 =	sand.u32 @!p4 $0x1FFDF000, s22;
	s23 =	sadd.s32 @!p4 s4, s23  }
0x28: {  	[tilespmem:s24], [sflag:$0x1] =	stream.linear.gather @!p4 [hbm4b:s23+s24], $0x100, $0x38;
	[tilespmem:$0x11300] =	vst v63  }
0x29: {  	s22 =	sadd.s32 @!p4 s1, s22;
	s23 =	simm.s32 @!p4 $0x200  }
0x2a: {  	[tilespmem:s23], [sflag:$0x1] =	stream.linear.gather @!p4 [hbm4b:s22+s24], $0x8000, $0x38;
	[tilespmem:$0x11300] =	vst v63  }
0x2b: {  	s22 =	simm.s32 @p3 $0x2  }
0x2c: {  	_ =	swait.ge @p3 [sflag:s22], $0x100  }
0x2d: {  	[sflag:s22] =	ssyncset.done @p3 $0x0  }
0x2e: {  	[sflag:s22] =	ssyncadd.s32 @p3 $0xFFFFFF00  }
0x2f: {  	_ =	swait.ge @p3 [sflag:s22], $0x8000  }
0x30: {  	s23 =	simm.s32 @p3 $0x100;
	[sflag:s22] =	ssyncset.done @p3 $0x0  }
0x31: {  	s24 =	simm.s32 @p3 $0x8200;
	[sflag:s22] =	ssyncadd.s32 @p3 $0xFFFF8000;
	s22 =	simm.s32 @p3 $0x80  }
0x32: {  	[spmem:s2] =	stream.indirect.scatter.add.f32 @p3 [tilespmem:s24], [sflag:$0x4], $0x80, s23, s22, $0xb8;
	[tilespmem:$0x11300] =	vst v63  }
0x33: {  	s20 =	sor.u32 @!p3 $0x1, s20;
	s23 =	simm.s32 @p3 $0x4  }
0x34: {  	p4 =	sge.u32 @!p3 s20, s7;
	_ =	swait.ge @p3 [sflag:s23], $0x4000  }
0x35: {  	p4 =	por p4, p3;
	[sflag:s23] =	ssyncset.done @p3 $0x0  }
0x36: {  	s24 =	simm.s32 @p3 $0xC200;
	[sflag:s23] =	ssyncadd.s32 @p3 $0xFFFFC000;
	s23 =	simm.s32 @p3 $0x180  }
0x37: {  	[spmem:s2] =	stream.indirect.scatter.add.f32 @p3 [tilespmem:s24], [sflag:$0x3], $0x80, s23, s22, $0xb8;
	[tilespmem:$0x11300] =	vst v63  }
0x38: {  	s22 =	sshll.u32 @!p4 s20, $0x5  }
0x39: {  	s22 =	sor.u32 @!p4 s5, s22  }
0x3a: {  	s23 =	simm.s32 @p3 $0x3;
	s24 =	sshll.u32 @!p4 s22, $0x8  }
0x3b: {  	_ =	swait.ge @p3 [sflag:s23], $0x4000;
	s24 =	sand.u32 @!p4 $0x7FFFFC00, s24  }
0x3c: {  	s25 =	simm.s32 @!p4 $0x100;
	[sflag:s23] =	ssyncset.done @p3 $0x0;
	s24 =	sor.u32 @!p4 s8, s24  }
0x3d: {  	s22 =	sshll.u32 @!p4 s22, $0xC;
	[sflag:s23] =	ssyncadd.s32 @p3 $0xFFFFC000;
	s23 =	sshrl.u32 @!p4 s24, $0x3  }
0x3e: {  	s22 =	sand.u32 @!p4 $0x1FFFF000, s22;
	s24 =	simm.s32 @!p4 $0x0;
	s23 =	sadd.s32 @!p4 s4, s23  }
0x3f: {  	[tilespmem:s25], [sflag:$0x2] =	stream.linear.gather @!p4 [hbm4b:s23+s24], $0x100, $0x38;
	[tilespmem:$0x11300] =	vst v63  }
0x40: {  	s22 =	sadd.s32 @!p4 s1, s22;
	s23 =	simm.s32 @!p4 $0x8200  }
0x41: {  	[tilespmem:s23], [sflag:$0x2] =	stream.linear.gather @!p4 [hbm4b:s22+s24], $0x8000, $0x38;
	[tilespmem:$0x11300] =	vst v63  }
0x42: {  	s22 =	simm.s32 @!p3 $0x1  }
0x43: {  	_ =	swait.ge @!p3 [sflag:s22], $0x100  }
0x44: {  	[sflag:s22] =	ssyncset.done @!p3 $0x0  }
0x45: {  	[sflag:s22] =	ssyncadd.s32 @!p3 $0xFFFFFF00  }
0x46: {  	_ =	swait.ge @!p3 [sflag:s22], $0x8000  }
0x47: {  	s23 =	simm.s32 @!p3 $0x0;
	[sflag:s22] =	ssyncset.done @!p3 $0x0  }
0x48: {  	s24 =	simm.s32 @!p3 $0x200;
	[sflag:s22] =	ssyncadd.s32 @!p3 $0xFFFF8000;
	s22 =	simm.s32 @!p3 $0x80  }
0x49: {  	[spmem:s2] =	stream.indirect.scatter.add.f32 @!p3 [tilespmem:s24], [sflag:$0x4], $0x80, s23, s22, $0xb8;
	[tilespmem:$0x11300] =	vst v63  }
0x4a: {  	s23 =	simm.s32 @!p3 $0x4  }
0x4b: {  	s20 =	smov.u32 @p3 s21;
	_ =	swait.ge @!p3 [sflag:s23], $0x4000  }
0x4c: {  	p4 =	sne.s32 s20, s7;
	[sflag:s23] =	ssyncset.done @!p3 $0x0  }
.Ltmp0:
0x4d: {  	s24 =	simm.s32 @!p3 $0x4200;
	[sflag:s23] =	ssyncadd.s32 @!p3 $0xFFFFC000;
	(pc) =	sbr.rel @p4 .LBB2_2-.Ltmp0, $4  }
0x4e: {  	[spmem:s2] =	stream.indirect.scatter.add.f32 @!p3 [tilespmem:s24], [sflag:$0x4], $0x80, s22, s22, $0xb8;
	[tilespmem:$0x11300] =	vst v63  }
0x4f: {  	_ =	swait.ge @!p3 [sflag:s23], $0x4000  }
0x50: {  	[sflag:s23] =	ssyncset.done @!p3 $0x0  }
0x51: {  	[sflag:s23] =	ssyncadd.s32 @!p3 $0xFFFFC000  }
0x52: {  	s20 =	simm.s32 @p1 $0x0;
	s21 =	simm.s32 @p1 $0x10280;
	s22 =	simm.s32 @p1 $0x3  }
0x53: {  	[tilespmem:s21], [sflag:$0x3] =	stream.linear.gather @p1 [hbm4b:s11+s20], $0x20, $0x38;
	[tilespmem:$0x11300] =	vst v63  }
0x54: {  	_ =	swait.ge @p1 [sflag:s22], $0x20  }
0x55: {  	[sflag:s22] =	ssyncset.done @p1 $0x0  }
0x56: {  	s23 =	simm.s32 @p1 $0x8200;
	[sflag:s22] =	ssyncadd.s32 @p1 $0xFFFFFFE0  }
0x57: {  	[tilespmem:s23], [sflag:$0x3] =	stream.linear.gather @p1 [hbm4b:s12+s20], $0x1000, $0x38;
	[tilespmem:$0x11300] =	vst v63  }
0x58: {  	_ =	swait.ge @p1 [sflag:s22], $0x1000  }
0x59: {  	[sflag:s22] =	ssyncset.done @p1 $0x0  }
0x5a: {  	s20 =	simm.s32 @p1 $0x20;
	[sflag:s22] =	ssyncadd.s32 @p1 $0xFFFFF000  }
0x5b: {  	[spmem:s2] =	stream.indirect.scatter.add.f32 @p1 [tilespmem:s23], [sflag:$0x3], $0x80, s21, s20, $0xb8;
	[tilespmem:$0x11300] =	vst v63  }
0x5c: {  	_ =	swait.ge @p1 [sflag:s22], $0x1000  }
0x5d: {  	s20 =	simm.s32 @!p2 $0x0;
	[sflag:s22] =	ssyncset.done @p1 $0x0  }
0x5e: {  	s21 =	simm.s32 @!p2 $0x10200;
	[sflag:s22] =	ssyncadd.s32 @p1 $0xFFFFF000;
	s22 =	simm.s32 @!p2 $0x3  }
0x5f: {  	[tilespmem:s21], [sflag:$0x3] =	stream.linear.gather @!p2 [hbm4b:s13+s20], $0x80, $0x38;
	[tilespmem:$0x11300] =	vst v63  }
0x60: {  	_ =	swait.ge @!p2 [sflag:s22], $0x80  }
0x61: {  	[sflag:s22] =	ssyncset.done @!p2 $0x0  }
0x62: {  	s23 =	simm.s32 @!p2 $0x200;
	[sflag:s22] =	ssyncadd.s32 @!p2 $0xFFFFFF80  }
0x63: {  	[tilespmem:s23], [sflag:$0x3] =	stream.linear.gather @!p2 [hbm4b:s14+s20], $0x4000, $0x38;
	[tilespmem:$0x11300] =	vst v63  }
0x64: {  	_ =	swait.ge @!p2 [sflag:s22], $0x4000  }
0x65: {  	[sflag:s22] =	ssyncset.done @!p2 $0x0  }
0x66: {  	s20 =	simm.s32 @!p2 $0x80;
	[sflag:s22] =	ssyncadd.s32 @!p2 $0xFFFFC000  }
0x67: {  	[spmem:s2] =	stream.indirect.scatter.add.f32 @!p2 [tilespmem:s23], [sflag:$0x3], $0x80, s21, s20, $0xb8;
	[tilespmem:$0x11300] =	vst v63  }
0x68: {  	_ =	swait.ge @!p2 [sflag:s22], $0x4000  }
0x69: {  	[sflag:s22] =	ssyncset.done @!p2 $0x0  }
0x6a: {  	s19 =	sadd.s32 $0x1, s19;
	[sflag:s22] =	ssyncadd.s32 @!p2 $0xFFFFC000  }
0x6b: {  	p3 =	sne.s32 s19, s16;
	s20 =	simm.s32 @!p0 $0x1C03;
	[bflag:$0x0] =	sbarrier.arrive $0xFFFF  }
0x6c: {  	[hbm:s15], [sflag:s20] =	dma.local @!p0 [spmem:s17], $0x2000  }
.Ltmp1:
0x6d: {  	_ = 	snop;
	(pc) =	sbr.rel @p3 .LBB2_1-.Ltmp1, $4  }
0x6e: {  	s20 =	simm.s32 @!p0 $0x3  }
0x6f: {  	_ =	swait.ge @!p0 [sflag:s20], $0x2000  }
0x70: {  	[sflag:s20] =	ssyncset.done @!p0 $0x0  }
0x71: {  	[sflag:s20] =	ssyncadd.s32 @!p0 $0xFFFFE000  }
0x72: {  	_ =	sfence.sel $0x180000  }
0x73: {  	[bflag:$0x0] =	sbarrier.arrive $0xFFFF  }
0x74: {  	_ =	strace $0x90000047  }
0x75: {  	s0 =	sadd.s32 @!p0 $0x100000, s0;
	[bflag:$0x2] =	sbarrier.arrive $0xFFFF  }
0x76: {  	[sflag:s0] =	ssyncadd.tile.s32 @!p0 $0x1;
	_ =	shalt  }
.Lfunc_end2:
_tile_overlayer_lowered:
.L_overlay_start_2:
0x77: {  	(tag) =	ssettag $0x2  }
0x78: {  	s0 =	rddreg [dreg:$0x0];
	s2 =	stileid.u32  }
0x79: {  	s1 =	rddreg [dreg:$0x1];
	p0 =	sne.s32 s2, $0x0  }
0x7a: {  	s3 =	rddreg [dreg:$0x2];
	[bflag:$0x3] =	sbarrier.arrive $0xFFFF;
	s2 =	simm.s32 @!p0 $0x1C03  }
0x7b: {  	[timem:s3], [sflag:s2] =	dma.local @!p0 [hbm:s0], s1  }
0x7c: {  	s0 =	simm.s32 @!p0 $0x3  }
0x7d: {  	_ =	swait.ge @!p0 [sflag:s0], s1  }
0x7e: {  	s1 =	ssub.s32 @!p0 $0x0, s1;
	[sflag:s0] =	ssyncset.done @!p0 $0x0  }
0x7f: {  	[sflag:s0] =	ssyncadd.s32 @!p0 s1  }
0x80: {  	[bflag:$0x3] =	sbarrier.arrive $0xFFFF  }
0x81: {  	_ =	shalt  }

</sc_bundles>
